<compile_context>
chip_gen: v7x
topology: tpu7x:2x2x1
jax: 0.10.2.dev20260603
libtpu: 0.0.44.dev20260713+nightly
codegen_flags: <defaults>
</compile_context>

<pallas_src>
import functools

import jax
import jax.numpy as jnp
from jax import lax
from jax.experimental import pallas as pl
from jax.experimental.pallas import tpu as pltpu
from jax.experimental.pallas import tpu_sc as plsc

HIDDEN = 256
EDGE_HIDDEN = 16
N_NODES = 10000
N_EDGES = 160000

_NSC = 2
_NTILE = 16
_NW = _NSC * _NTILE
_WCOL = 128
_NPAD = 10240
_NSTRIPE = _NPAD // _NTILE

_E1 = 81920
_E2 = N_EDGES - _E1

_GCH = 128
_SCH = 80
_BE = 8000


def _sc_gather(node_i32, src, base, epw, n_edges):
    mesh = plsc.VectorSubcoreMesh(core_axis_name="c", subcore_axis_name="s")
    full = epw // _GCH
    tail = epw - full * _GCH

    @functools.partial(
        pl.kernel,
        out_type=jax.ShapeDtypeStruct((n_edges, HIDDEN // 2), jnp.int32),
        mesh=mesh,
        scratch_types=[
            pltpu.VMEM((epw,), jnp.int32),
            pltpu.VMEM((_GCH, HIDDEN // 2), jnp.int32),
            pltpu.VMEM((_GCH, HIDDEN // 2), jnp.int32),
            pltpu.VMEM((max(tail, 8), HIDDEN // 2), jnp.int32),
            pltpu.SemaphoreType.DMA,
            pltpu.SemaphoreType.DMA,
            pltpu.SemaphoreType.DMA,
            pltpu.SemaphoreType.DMA,
        ],
    )
    def k(table_hbm, src_hbm, out_hbm, idx_v, rows_a, rows_b, tail_v,
          sem_ga, sem_gb, sem_wa, sem_wb):
        c = lax.axis_index("c")
        s = lax.axis_index("s")
        wid = s * _NSC + c
        ob = wid * epw
        pltpu.sync_copy(src_hbm.at[pl.ds(base + ob, epw)], idx_v)

        def start_g(j, rows_ref, sem_g):
            pltpu.async_copy(
                table_hbm.at[idx_v.at[pl.ds(j * _GCH, _GCH)]], rows_ref, sem_g
            )

        def half(j, rows_ref, sem_g, sem_w):
            pltpu.make_async_copy(
                table_hbm.at[idx_v.at[pl.ds(0, _GCH)]], rows_ref, sem_g
            ).wait()
            pltpu.async_copy(
                rows_ref, out_hbm.at[pl.ds(ob + j * _GCH, _GCH)], sem_w
            )
            pltpu.make_async_copy(
                rows_ref, out_hbm.at[pl.ds(ob, _GCH)], sem_w
            ).wait()

            @pl.when(j + 2 <= full - 1)
            def _():
                start_g(j + 2, rows_ref, sem_g)

        start_g(0, rows_a, sem_ga)
        start_g(1, rows_b, sem_gb)

        def body(g, carry):
            half(2 * g, rows_a, sem_ga, sem_wa)
            half(2 * g + 1, rows_b, sem_gb, sem_wb)
            return carry

        lax.fori_loop(0, full // 2, body, 0)
        if full % 2 == 1:
            half(full - 1, rows_a, sem_ga, sem_wa)
        if tail:
            t0 = full * _GCH
            pltpu.async_copy(
                table_hbm.at[idx_v.at[pl.ds(t0, tail)]],
                tail_v.at[pl.ds(0, tail)], sem_ga
            ).wait()
            pltpu.sync_copy(tail_v.at[pl.ds(0, tail)],
                            out_hbm.at[pl.ds(ob + t0, tail)])

    return k(node_i32, src)


def _sc_scatter(msgs, dst, init):
    mesh = plsc.VectorSubcoreMesh(core_axis_name="c", subcore_axis_name="s")

    @functools.partial(
        pl.kernel,
        out_type=(
            jax.ShapeDtypeStruct((_NSC, _NPAD, _WCOL), jnp.float32),
            jax.ShapeDtypeStruct((_NPAD,), jnp.float32),
            jax.ShapeDtypeStruct((_NTILE, 1, _NPAD), jnp.float32),
        ),
        mesh=mesh,
        scratch_types=[
            pltpu.VMEM((_SCH,), jnp.int32),
            pltpu.VMEM((_SCH,), jnp.int32),
            pltpu.VMEM((_SCH, _WCOL), jnp.float32),
            pltpu.VMEM((_SCH, _WCOL), jnp.float32),
            pltpu.VMEM((1, _NPAD), jnp.float32),
            pltpu.VMEM((_NTILE, 1, _NSTRIPE), jnp.float32),
            pltpu.VMEM((_NSTRIPE,), jnp.float32),
            pltpu.VMEM_SHARED((_NPAD, _WCOL), jnp.float32),
            pltpu.SemaphoreType.DMA,
            pltpu.SemaphoreType.DMA,
            pltpu.SemaphoreType.DMA,
            pltpu.SemaphoreType.DMA,
        ],
        compiler_params=pltpu.CompilerParams(needs_layout_passes=False),
    )
    def k(msgs_hbm, dst_hbm, init_hbm, out_hbm, deg_hbm,
          stage_hbm, idx_a, idx_b, buf_a, buf_b, hist_v, red_v,
          res_v, acc_s, sem_ia, sem_ib, sem_ma, sem_mb):
        c = lax.axis_index("c")
        s = lax.axis_index("s")
        pltpu.sync_copy(init_hbm.at[c, pl.ds(s * _NSTRIPE, _NSTRIPE)],
                        acc_s.at[pl.ds(s * _NSTRIPE, _NSTRIPE)])

        @pl.when(c == 0)
        def _zero_hist():
            zv = jnp.zeros((16,), jnp.float32)

            def zbody(i, carry):
                hist_v[0, pl.ds(i * 16, 16)] = zv
                return carry

            lax.fori_loop(0, _NPAD // 16, zbody, 0)

        plsc.subcore_barrier()
        vones = jnp.full((16,), 1.0, jnp.float32)
        ept = N_EDGES // _NTILE
        srows = ept // _SCH
        e0 = s * ept

        def start(j, idx_ref, buf_ref, sem_i, sem_m):
            pltpu.async_copy(dst_hbm.at[pl.ds(e0 + j * _SCH, _SCH)],
                             idx_ref, sem_i)
            pltpu.async_copy(
                msgs_hbm.at[c, pl.ds(e0 + j * _SCH, _SCH)], buf_ref, sem_m)

        def fin(idx_ref, buf_ref, sem_i, sem_m):
            pltpu.make_async_copy(dst_hbm.at[pl.ds(e0, _SCH)], idx_ref,
                                  sem_i).wait()
            pltpu.make_async_copy(msgs_hbm.at[c, pl.ds(e0, _SCH)],
                                  buf_ref, sem_m).wait()
            pltpu.sync_copy(buf_ref, acc_s.at[idx_ref], add=True)

            @pl.when(c == 0)
            def _hist():
                for t in range(_SCH // 16):
                    idx16 = idx_ref[pl.ds(t * 16, 16)]
                    plsc.addupdate_scatter(hist_v.at[0], [idx16], vones)

        start(0, idx_a, buf_a, sem_ia, sem_ma)
        start(1, idx_b, buf_b, sem_ib, sem_mb)

        def body(g, carry):
            fin(idx_a, buf_a, sem_ia, sem_ma)

            @pl.when(2 * g + 2 <= srows - 1)
            def _():
                start(2 * g + 2, idx_a, buf_a, sem_ia, sem_ma)

            fin(idx_b, buf_b, sem_ib, sem_mb)

            @pl.when(2 * g + 3 <= srows - 1)
            def _():
                start(2 * g + 3, idx_b, buf_b, sem_ib, sem_mb)

            return carry

        lax.fori_loop(0, srows // 2, body, 0)
        if srows % 2 == 1:
            fin(idx_a, buf_a, sem_ia, sem_ma)

        plsc.subcore_barrier()
        pltpu.sync_copy(
            acc_s.at[pl.ds(s * _NSTRIPE, _NSTRIPE)],
            out_hbm.at[c, pl.ds(s * _NSTRIPE, _NSTRIPE)],
        )

        if True:
            @pl.when(c == 0)
            def _deg_reduce():
                pltpu.sync_copy(hist_v, stage_hbm.at[s])
                plsc.subcore_barrier()
                pltpu.sync_copy(
                    stage_hbm.at[:, :, pl.ds(s * _NSTRIPE, _NSTRIPE)], red_v
                )

                def rbody(g, carry):
                    v = red_v[0, 0, pl.ds(g * 16, 16)]
                    for t in range(1, _NTILE):
                        v = v + red_v[t, 0, pl.ds(g * 16, 16)]
                    res_v[pl.ds(g * 16, 16)] = v
                    return carry

                lax.fori_loop(0, _NSTRIPE // 16, rbody, 0)
                pltpu.sync_copy(res_v,
                                deg_hbm.at[pl.ds(s * _NSTRIPE, _NSTRIPE)])

    return k(msgs, dst, init)


def _msg_body(eb_ref, sf_ref, w1_ref, b1_ref, w2_ref, b2_ref, out_ref):
    h = jnp.maximum(
        jnp.dot(eb_ref[...], w1_ref[...], preferred_element_type=jnp.float32)
        + b1_ref[...],
        0.0,
    )
    ew = jnp.dot(h.astype(jnp.bfloat16), w2_ref[...],
                 preferred_element_type=jnp.float32) + b2_ref[...]
    x = sf_ref[...]
    sf_lo = lax.bitcast_convert_type(x << 16, jnp.float32)
    sf_hi = lax.bitcast_convert_type(x & jnp.int32(-65536), jnp.float32)
    out_ref[0] = ew[:, :_WCOL] * sf_lo
    out_ref[1] = ew[:, _WCOL:] * sf_hi


def _tc_messages(edge_emb, sf, ew_W1, ew_b1, ew_W2, ew_b2, blk_ofs, n_edges):
    grid = n_edges // _BE
    return pl.pallas_call(
        _msg_body,
        grid=(grid,),
        in_specs=[
            pl.BlockSpec((_BE, EDGE_HIDDEN), lambda i, o=blk_ofs: (i + o, 0)),
            pl.BlockSpec((_BE, HIDDEN // 2), lambda i: (i, 0)),
            pl.BlockSpec((EDGE_HIDDEN, HIDDEN), lambda i: (0, 0)),
            pl.BlockSpec((1, HIDDEN), lambda i: (0, 0)),
            pl.BlockSpec((HIDDEN, HIDDEN), lambda i: (0, 0)),
            pl.BlockSpec((1, HIDDEN), lambda i: (0, 0)),
        ],
        out_specs=pl.BlockSpec((_NSC, _BE, _WCOL), lambda i: (0, i, 0)),
        out_shape=jax.ShapeDtypeStruct((_NSC, n_edges, _WCOL), jnp.float32),
    )(edge_emb.astype(jnp.bfloat16), sf, ew_W1.astype(jnp.bfloat16),
      ew_b1.reshape(1, -1), ew_W2.astype(jnp.bfloat16),
      ew_b2.reshape(1, -1))


def _final_body(x_ref, agg_ref, deg_ref, w1a_ref, w1b_ref, b1_ref, w2_ref,
                b2_ref, g_ref, beta_ref, out_ref):
    x = x_ref[...]
    deg = jnp.maximum(deg_ref[...], 1.0)
    a = jnp.concatenate([agg_ref[0], agg_ref[1]], axis=1) / deg
    h2 = jnp.maximum(
        jnp.dot(x.astype(jnp.bfloat16), w1a_ref[...].astype(jnp.bfloat16),
                preferred_element_type=jnp.float32)
        + jnp.dot(a.astype(jnp.bfloat16), w1b_ref[...].astype(jnp.bfloat16),
                  preferred_element_type=jnp.float32)
        + b1_ref[...],
        0.0,
    )
    nu = jnp.dot(h2.astype(jnp.bfloat16), w2_ref[...].astype(jnp.bfloat16),
                 preferred_element_type=jnp.float32) + b2_ref[...]
    y = x + nu
    mean = jnp.mean(y, axis=1, keepdims=True)
    yc = y - mean
    var = jnp.mean(yc * yc, axis=1, keepdims=True)
    out_ref[...] = yc * lax.rsqrt(var + 1e-5) * g_ref[...] + beta_ref[...]


def _tc_final(node_emb, agg, deg, nu_W1, nu_b1, nu_W2, nu_b2, ln_gamma,
              ln_beta):
    BN = 1000
    grid = N_NODES // BN
    return pl.pallas_call(
        _final_body,
        grid=(grid,),
        in_specs=[
            pl.BlockSpec((BN, HIDDEN), lambda i: (i, 0)),
            pl.BlockSpec((_NSC, BN, _WCOL), lambda i: (0, i, 0)),
            pl.BlockSpec((BN, 1), lambda i: (i, 0)),
            pl.BlockSpec((HIDDEN, HIDDEN), lambda i: (0, 0)),
            pl.BlockSpec((HIDDEN, HIDDEN), lambda i: (0, 0)),
            pl.BlockSpec((1, HIDDEN), lambda i: (0, 0)),
            pl.BlockSpec((HIDDEN, HIDDEN), lambda i: (0, 0)),
            pl.BlockSpec((1, HIDDEN), lambda i: (0, 0)),
            pl.BlockSpec((1, HIDDEN), lambda i: (0, 0)),
            pl.BlockSpec((1, HIDDEN), lambda i: (0, 0)),
        ],
        out_specs=pl.BlockSpec((BN, HIDDEN), lambda i: (i, 0)),
        out_shape=jax.ShapeDtypeStruct((N_NODES, HIDDEN), jnp.float32),
    )(node_emb, agg, deg, nu_W1[:HIDDEN], nu_W1[HIDDEN:],
      nu_b1.reshape(1, -1), nu_W2, nu_b2.reshape(1, -1),
      ln_gamma.reshape(1, -1), ln_beta.reshape(1, -1))


def kernel(node_emb, edge_index, edge_emb, ew_W1, ew_b1, ew_W2, ew_b2,
           nu_W1, nu_b1, nu_W2, nu_b2, ln_gamma, ln_beta):
    src = edge_index[0].astype(jnp.int32)
    dst = edge_index[1].astype(jnp.int32)
    node_bf = node_emb.astype(jnp.bfloat16)
    lo = lax.bitcast_convert_type(node_bf[:, : HIDDEN // 2],
                                  jnp.uint16).astype(jnp.uint32)
    hi = lax.bitcast_convert_type(node_bf[:, HIDDEN // 2:],
                                  jnp.uint16).astype(jnp.uint32)
    node_i32 = lax.bitcast_convert_type(lo | (hi << 16), jnp.int32)

    sf = _sc_gather(node_i32, src, 0, N_EDGES // _NW, N_EDGES)
    m = _tc_messages(edge_emb, sf, ew_W1, ew_b1, ew_W2, ew_b2, 0, N_EDGES)
    zinit = jnp.zeros((_NSC, _NPAD, _WCOL), jnp.float32)
    agg, deg, _stage = _sc_scatter(m, dst, zinit)
    deg2d = deg.reshape(_NPAD, 1)
    return _tc_final(node_emb, agg, deg2d, nu_W1, nu_b1, nu_W2, nu_b2,
                     ln_gamma, ln_beta)

# --- scband reference (transcript-rebuilt; emitter-appended) ---
"""Pipeline reference for scband-graph-conv-block-22926535426430 (READ-ONLY COPY).

The authoritative reference and input builder live on the scoring server;
editing this copy changes nothing except your own understanding.
"""

import jax, jax.numpy as jnp
import numpy as np

HIDDEN = 256
EDGE_HIDDEN = 16
N_NODES = 10000
N_EDGES = 160000


def setup_inputs(seed: int = 0) -> dict:
    key = jax.random.key(seed)
    ks = jax.random.split(key, 16)
    node_emb = jax.random.normal(ks[0], (N_NODES, HIDDEN), dtype=jnp.float32)
    edge_index = jax.random.randint(ks[1], (2, N_EDGES), 0, N_NODES, dtype=jnp.int64)
    edge_emb = jax.random.normal(ks[2], (N_EDGES, EDGE_HIDDEN), dtype=jnp.float32)
    # edge_weight_net (vector): Linear(16->256), ReLU, Linear(256->256)
    ew_W1 = jax.random.normal(ks[3], (EDGE_HIDDEN, HIDDEN), dtype=jnp.float32) * (1.0 / np.sqrt(EDGE_HIDDEN))
    ew_b1 = jnp.zeros((HIDDEN,), dtype=jnp.float32)
    ew_W2 = jax.random.normal(ks[4], (HIDDEN, HIDDEN), dtype=jnp.float32) * (1.0 / np.sqrt(HIDDEN))
    ew_b2 = jnp.zeros((HIDDEN,), dtype=jnp.float32)
    # node_update: Linear(512->256), ReLU, Linear(256->256)
    nu_W1 = jax.random.normal(ks[5], (2 * HIDDEN, HIDDEN), dtype=jnp.float32) * (1.0 / np.sqrt(2 * HIDDEN))
    nu_b1 = jnp.zeros((HIDDEN,), dtype=jnp.float32)
    nu_W2 = jax.random.normal(ks[6], (HIDDEN, HIDDEN), dtype=jnp.float32) * (1.0 / np.sqrt(HIDDEN))
    nu_b2 = jnp.zeros((HIDDEN,), dtype=jnp.float32)
    # LayerNorm
    ln_gamma = jnp.ones((HIDDEN,), dtype=jnp.float32)
    ln_beta = jnp.zeros((HIDDEN,), dtype=jnp.float32)
    return {
        "node_emb": node_emb,
        "edge_index": edge_index,
        "edge_emb": edge_emb,
        "ew_W1": ew_W1, "ew_b1": ew_b1, "ew_W2": ew_W2, "ew_b2": ew_b2,
        "nu_W1": nu_W1, "nu_b1": nu_b1, "nu_W2": nu_W2, "nu_b2": nu_b2,
        "ln_gamma": ln_gamma, "ln_beta": ln_beta,
    }


def reference(node_emb, edge_index, edge_emb, ew_W1, ew_b1, ew_W2, ew_b2,
              nu_W1, nu_b1, nu_W2, nu_b2, ln_gamma, ln_beta):
    src = edge_index[0]
    dst = edge_index[1]
    # edge-conditioned weights (vector type)
    h = jax.nn.relu(edge_emb @ ew_W1 + ew_b1)
    edge_weights = h @ ew_W2 + ew_b2  # [E, hidden]
    # gather source node features
    src_features = jnp.take(node_emb, src, axis=0)  # [E, hidden]
    messages = edge_weights * src_features
    num_nodes = node_emb.shape[0]
    # scatter-add aggregation by destination node
    aggregated = jnp.zeros((num_nodes, HIDDEN), dtype=jnp.float32).at[dst].add(messages)
    degree = jnp.zeros((num_nodes,), dtype=jnp.float32).at[dst].add(jnp.ones((dst.shape[0],), dtype=jnp.float32))
    degree = jnp.clip(degree, 1.0, None)[:, None]
    aggregated = aggregated / degree
    # node update MLP with residual + layernorm
    update_input = jnp.concatenate([node_emb, aggregated], axis=-1)
    h2 = jax.nn.relu(update_input @ nu_W1 + nu_b1)
    node_update = h2 @ nu_W2 + nu_b2
    x = node_emb + node_update
    mean = jnp.mean(x, axis=-1, keepdims=True)
    var = jnp.var(x, axis=-1, keepdims=True)
    out = (x - mean) / jnp.sqrt(var + 1e-5) * ln_gamma + ln_beta
    return out

if __name__ == "__main__":
    import jax
    _d = setup_inputs()
    print(jax.jit(kernel)(*tuple(_d.values())))

</pallas_src>

<mosaic_0001>
#map = affine_map<(d0, d1) -> (0, 0)>
#map1 = affine_map<(d0, d1) -> (0)>
module attributes {stable_mosaic.version = 14 : i64} {
  func.func @k(%arg0: i32, %arg1: i32, %arg2: memref<10000x128xi32, #tpu.memory_space<hbm>>, %arg3: memref<160000xi32, #tpu.memory_space<hbm>>, %arg4: memref<160000x128xi32, #tpu.memory_space<hbm>>, %arg5: memref<5000xi32, #tpu.memory_space<vmem>>, %arg6: memref<128x128xi32, #tpu.memory_space<vmem>>, %arg7: memref<128x128xi32, #tpu.memory_space<vmem>>, %arg8: memref<8x128xi32, #tpu.memory_space<vmem>>, %arg9: memref<!tpu.dma_semaphore, #tpu.memory_space<semaphore_mem>>, %arg10: memref<!tpu.dma_semaphore, #tpu.memory_space<semaphore_mem>>, %arg11: memref<!tpu.dma_semaphore, #tpu.memory_space<semaphore_mem>>, %arg12: memref<!tpu.dma_semaphore, #tpu.memory_space<semaphore_mem>>) attributes {dimension_semantics = [#tpu.dimension_semantics<core_parallel>, #tpu.dimension_semantics<subcore_parallel>], iteration_bounds = array<i64: 2, 16>, scalar_prefetch = 0 : i64, scratch_operands = 8 : i64, tpu.core_type = #tpu.core_type<sc_vector_subcore>, window_params = [{transform_indices = #map}, {transform_indices = #map1}, {transform_indices = #map}]} {
    %mul3A = arith.constant 2 : i32
    %mul3A_0 = arith.muli %arg1, %mul3A : i32
    %add3A = arith.addi %mul3A_0, %arg0 : i32
    %mul3A_1 = arith.constant 5000 : i32
    %mul3A_2 = arith.muli %add3A, %mul3A_1 : i32
    %add3A_3 = arith.constant 0 : i32
    %add3A_4 = arith.addi %add3A_3, %mul3A_2 : i32
    "tpu.region"() ({
      %run_scoped3A = tpu.sem_alloc : memref<!tpu.dma_semaphore, #tpu.memory_space<semaphore_mem>>
      %dma_start3A_51 = tpu.memref_slice %arg3[%add3A_4] : memref<160000xi32, #tpu.memory_space<hbm>> -> memref<5000xi32, #tpu.memory_space<hbm>>
      %dma_start3A_52 = tpu.memref_slice %arg3[%add3A_4] : memref<160000xi32, #tpu.memory_space<hbm>> -> memref<5000xi32, #tpu.memory_space<hbm>>
      tpu.enqueue_dma source(%dma_start3A_52 : memref<5000xi32, #tpu.memory_space<hbm>>) target(%arg5 : memref<5000xi32, #tpu.memory_space<vmem>>) target_semaphore(%run_scoped3A : memref<!tpu.dma_semaphore, #tpu.memory_space<semaphore_mem>>)
      %dma_wait3A_53 = tpu.memref_slice %arg3[%add3A_4] : memref<160000xi32, #tpu.memory_space<hbm>> -> memref<5000xi32, #tpu.memory_space<hbm>>
      %dma_wait3A_54 = tpu.memref_slice %arg3[%add3A_4] : memref<160000xi32, #tpu.memory_space<hbm>> -> memref<5000xi32, #tpu.memory_space<hbm>>
      tpu.wait_dma2 semaphore(%run_scoped3A : memref<!tpu.dma_semaphore, #tpu.memory_space<semaphore_mem>>) src(%dma_wait3A_54 : memref<5000xi32, #tpu.memory_space<hbm>>) dst(%arg5 : memref<5000xi32, #tpu.memory_space<vmem>>)
      tpu.yield
    }) : () -> ()
    %dma_start3A = arith.constant 0 : i32
    %dma_start3A_5 = tpu.memref_slice %arg5[%dma_start3A] : memref<5000xi32, #tpu.memory_space<vmem>> -> memref<128xi32, #tpu.memory_space<vmem>>
    %dma_start3A_6 = arith.constant 0 : i32
    %dma_start3A_7 = arith.constant 0 : i32
    %dma_start3A_8 = tpu.memref_slice %arg2[%dma_start3A_6, %dma_start3A_7] : memref<10000x128xi32, #tpu.memory_space<hbm>> -> memref<10000x128xi32, #tpu.memory_space<hbm>>
    tpu.enqueue_indirect_dma source(%dma_start3A_8 : memref<10000x128xi32, #tpu.memory_space<hbm>>) target(%arg6 : memref<128x128xi32, #tpu.memory_space<vmem>>) offsets(%dma_start3A_5 : memref<128xi32, #tpu.memory_space<vmem>>) semaphore(%arg9 : memref<!tpu.dma_semaphore, #tpu.memory_space<semaphore_mem>>)
    %dma_start3A_9 = arith.constant 128 : i32
    %dma_start3A_10 = tpu.memref_slice %arg5[%dma_start3A_9] : memref<5000xi32, #tpu.memory_space<vmem>> -> memref<128xi32, #tpu.memory_space<vmem>>
    %dma_start3A_11 = arith.constant 0 : i32
    %dma_start3A_12 = arith.constant 0 : i32
    %dma_start3A_13 = tpu.memref_slice %arg2[%dma_start3A_11, %dma_start3A_12] : memref<10000x128xi32, #tpu.memory_space<hbm>> -> memref<10000x128xi32, #tpu.memory_space<hbm>>
    tpu.enqueue_indirect_dma source(%dma_start3A_13 : memref<10000x128xi32, #tpu.memory_space<hbm>>) target(%arg7 : memref<128x128xi32, #tpu.memory_space<vmem>>) offsets(%dma_start3A_10 : memref<128xi32, #tpu.memory_space<vmem>>) semaphore(%arg10 : memref<!tpu.dma_semaphore, #tpu.memory_space<semaphore_mem>>)
    %scan3A = arith.constant 0 : i32
    %scan3A_14 = arith.constant 0 : i32
    %scan3A_15 = arith.constant 19 : i32
    %scan3A_16 = arith.addi %scan3A_14, %scan3A_15 : i32
    %scan3A_17 = arith.constant 1 : i32
    scf.for %scan3A_51 = %scan3A_14 to %scan3A_16 step %scan3A_17  : i32 {
      %mul3A_52 = arith.constant 2 : i32
      %mul3A_53 = arith.muli %mul3A_52, %scan3A_51 : i32
      %dma_wait3A_54 = arith.constant 0 : i32
      %dma_wait3A_55 = tpu.memref_slice %arg5[%dma_wait3A_54] : memref<5000xi32, #tpu.memory_space<vmem>> -> memref<128xi32, #tpu.memory_space<vmem>>
      %dma_wait3A_56 = arith.constant 0 : i32
      %dma_wait3A_57 = arith.constant 0 : i32
      %dma_wait3A_58 = tpu.memref_slice %arg2[%dma_wait3A_56, %dma_wait3A_57] : memref<10000x128xi32, #tpu.memory_space<hbm>> -> memref<10000x128xi32, #tpu.memory_space<hbm>>
      tpu.wait_indirect_dma semaphore(%arg9 : memref<!tpu.dma_semaphore, #tpu.memory_space<semaphore_mem>>) src(%dma_wait3A_58 : memref<10000x128xi32, #tpu.memory_space<hbm>>) dst(%arg6 : memref<128x128xi32, #tpu.memory_space<vmem>>)
      %mul3A_59 = arith.constant 128 : i32
      %mul3A_60 = arith.muli %mul3A_53, %mul3A_59 : i32
      %add3A_61 = arith.addi %mul3A_2, %mul3A_60 : i32
      %dma_start3A_62 = arith.constant 0 : i32
      %dma_start3A_63 = tpu.memref_slice %arg4[%add3A_61, %dma_start3A_62] : memref<160000x128xi32, #tpu.memory_space<hbm>> -> memref<128x128xi32, #tpu.memory_space<hbm>>
      %dma_start3A_64 = arith.constant 0 : i32
      %dma_start3A_65 = tpu.memref_slice %arg4[%add3A_61, %dma_start3A_64] : memref<160000x128xi32, #tpu.memory_space<hbm>> -> memref<128x128xi32, #tpu.memory_space<hbm>>
      tpu.enqueue_dma source(%arg6 : memref<128x128xi32, #tpu.memory_space<vmem>>) target(%dma_start3A_65 : memref<128x128xi32, #tpu.memory_space<hbm>>) target_semaphore(%arg11 : memref<!tpu.dma_semaphore, #tpu.memory_space<semaphore_mem>>)
      %dma_wait3A_66 = arith.constant 0 : i32
      %dma_wait3A_67 = tpu.memref_slice %arg4[%mul3A_2, %dma_wait3A_66] : memref<160000x128xi32, #tpu.memory_space<hbm>> -> memref<128x128xi32, #tpu.memory_space<hbm>>
      %dma_wait3A_68 = arith.constant 0 : i32
      %dma_wait3A_69 = tpu.memref_slice %arg4[%mul3A_2, %dma_wait3A_68] : memref<160000x128xi32, #tpu.memory_space<hbm>> -> memref<128x128xi32, #tpu.memory_space<hbm>>
      tpu.wait_dma2 semaphore(%arg11 : memref<!tpu.dma_semaphore, #tpu.memory_space<semaphore_mem>>) src(%arg6 : memref<128x128xi32, #tpu.memory_space<vmem>>) dst(%dma_wait3A_69 : memref<128x128xi32, #tpu.memory_space<hbm>>)
      %add3A_70 = arith.constant 2 : i32
      %add3A_71 = arith.addi %mul3A_53, %add3A_70 : i32
      %le3A = arith.constant 38 : i32
      %le3A_72 = arith.cmpi sle, %add3A_71, %le3A : i32
      %convert_element_type3A = arith.extui %le3A_72 : i1 to i32
      %cond3A = arith.constant 0 : i32
      %cond3A_73 = arith.cmpi ne, %convert_element_type3A, %cond3A : i32
      scf.if %cond3A_73 {
        %add3A_101 = arith.constant 2 : i32
        %add3A_102 = arith.addi %mul3A_53, %add3A_101 : i32
        %mul3A_103 = arith.constant 128 : i32
        %mul3A_104 = arith.muli %add3A_102, %mul3A_103 : i32
        %dma_start3A_105 = tpu.memref_slice %arg5[%mul3A_104] : memref<5000xi32, #tpu.memory_space<vmem>> -> memref<128xi32, #tpu.memory_space<vmem>>
        %dma_start3A_106 = arith.constant 0 : i32
        %dma_start3A_107 = arith.constant 0 : i32
        %dma_start3A_108 = tpu.memref_slice %arg2[%dma_start3A_106, %dma_start3A_107] : memref<10000x128xi32, #tpu.memory_space<hbm>> -> memref<10000x128xi32, #tpu.memory_space<hbm>>
        tpu.enqueue_indirect_dma source(%dma_start3A_108 : memref<10000x128xi32, #tpu.memory_space<hbm>>) target(%arg6 : memref<128x128xi32, #tpu.memory_space<vmem>>) offsets(%dma_start3A_105 : memref<128xi32, #tpu.memory_space<vmem>>) semaphore(%arg9 : memref<!tpu.dma_semaphore, #tpu.memory_space<semaphore_mem>>)
      } else {
      }
      %mul3A_74 = arith.constant 2 : i32
      %mul3A_75 = arith.muli %mul3A_74, %scan3A_51 : i32
      %add3A_76 = arith.constant 1 : i32
      %add3A_77 = arith.addi %mul3A_75, %add3A_76 : i32
      %dma_wait3A_78 = arith.constant 0 : i32
      %dma_wait3A_79 = tpu.memref_slice %arg5[%dma_wait3A_78] : memref<5000xi32, #tpu.memory_space<vmem>> -> memref<128xi32, #tpu.memory_space<vmem>>
      %dma_wait3A_80 = arith.constant 0 : i32
      %dma_wait3A_81 = arith.constant 0 : i32
      %dma_wait3A_82 = tpu.memref_slice %arg2[%dma_wait3A_80, %dma_wait3A_81] : memref<10000x128xi32, #tpu.memory_space<hbm>> -> memref<10000x128xi32, #tpu.memory_space<hbm>>
      tpu.wait_indirect_dma semaphore(%arg10 : memref<!tpu.dma_semaphore, #tpu.memory_space<semaphore_mem>>) src(%dma_wait3A_82 : memref<10000x128xi32, #tpu.memory_space<hbm>>) dst(%arg7 : memref<128x128xi32, #tpu.memory_space<vmem>>)
      %mul3A_83 = arith.constant 128 : i32
      %mul3A_84 = arith.muli %add3A_77, %mul3A_83 : i32
      %add3A_85 = arith.addi %mul3A_2, %mul3A_84 : i32
      %dma_start3A_86 = arith.constant 0 : i32
      %dma_start3A_87 = tpu.memref_slice %arg4[%add3A_85, %dma_start3A_86] : memref<160000x128xi32, #tpu.memory_space<hbm>> -> memref<128x128xi32, #tpu.memory_space<hbm>>
      %dma_start3A_88 = arith.constant 0 : i32
      %dma_start3A_89 = tpu.memref_slice %arg4[%add3A_85, %dma_start3A_88] : memref<160000x128xi32, #tpu.memory_space<hbm>> -> memref<128x128xi32, #tpu.memory_space<hbm>>
      tpu.enqueue_dma source(%arg7 : memref<128x128xi32, #tpu.memory_space<vmem>>) target(%dma_start3A_89 : memref<128x128xi32, #tpu.memory_space<hbm>>) target_semaphore(%arg12 : memref<!tpu.dma_semaphore, #tpu.memory_space<semaphore_mem>>)
      %dma_wait3A_90 = arith.constant 0 : i32
      %dma_wait3A_91 = tpu.memref_slice %arg4[%mul3A_2, %dma_wait3A_90] : memref<160000x128xi32, #tpu.memory_space<hbm>> -> memref<128x128xi32, #tpu.memory_space<hbm>>
      %dma_wait3A_92 = arith.constant 0 : i32
      %dma_wait3A_93 = tpu.memref_slice %arg4[%mul3A_2, %dma_wait3A_92] : memref<160000x128xi32, #tpu.memory_space<hbm>> -> memref<128x128xi32, #tpu.memory_space<hbm>>
      tpu.wait_dma2 semaphore(%arg12 : memref<!tpu.dma_semaphore, #tpu.memory_space<semaphore_mem>>) src(%arg7 : memref<128x128xi32, #tpu.memory_space<vmem>>) dst(%dma_wait3A_93 : memref<128x128xi32, #tpu.memory_space<hbm>>)
      %add3A_94 = arith.constant 2 : i32
      %add3A_95 = arith.addi %add3A_77, %add3A_94 : i32
      %le3A_96 = arith.constant 38 : i32
      %le3A_97 = arith.cmpi sle, %add3A_95, %le3A_96 : i32
      %convert_element_type3A_98 = arith.extui %le3A_97 : i1 to i32
      %cond3A_99 = arith.constant 0 : i32
      %cond3A_100 = arith.cmpi ne, %convert_element_type3A_98, %cond3A_99 : i32
      scf.if %cond3A_100 {
        %add3A_101 = arith.constant 2 : i32
        %add3A_102 = arith.addi %add3A_77, %add3A_101 : i32
        %mul3A_103 = arith.constant 128 : i32
        %mul3A_104 = arith.muli %add3A_102, %mul3A_103 : i32
        %dma_start3A_105 = tpu.memref_slice %arg5[%mul3A_104] : memref<5000xi32, #tpu.memory_space<vmem>> -> memref<128xi32, #tpu.memory_space<vmem>>
        %dma_start3A_106 = arith.constant 0 : i32
        %dma_start3A_107 = arith.constant 0 : i32
        %dma_start3A_108 = tpu.memref_slice %arg2[%dma_start3A_106, %dma_start3A_107] : memref<10000x128xi32, #tpu.memory_space<hbm>> -> memref<10000x128xi32, #tpu.memory_space<hbm>>
        tpu.enqueue_indirect_dma source(%dma_start3A_108 : memref<10000x128xi32, #tpu.memory_space<hbm>>) target(%arg7 : memref<128x128xi32, #tpu.memory_space<vmem>>) offsets(%dma_start3A_105 : memref<128xi32, #tpu.memory_space<vmem>>) semaphore(%arg10 : memref<!tpu.dma_semaphore, #tpu.memory_space<semaphore_mem>>)
      } else {
      }
    }
    %scan3A_18 = arith.constant 19 : i32
    %dma_wait3A = arith.constant 0 : i32
    %dma_wait3A_19 = tpu.memref_slice %arg5[%dma_wait3A] : memref<5000xi32, #tpu.memory_space<vmem>> -> memref<128xi32, #tpu.memory_space<vmem>>
    %dma_wait3A_20 = arith.constant 0 : i32
    %dma_wait3A_21 = arith.constant 0 : i32
    %dma_wait3A_22 = tpu.memref_slice %arg2[%dma_wait3A_20, %dma_wait3A_21] : memref<10000x128xi32, #tpu.memory_space<hbm>> -> memref<10000x128xi32, #tpu.memory_space<hbm>>
    tpu.wait_indirect_dma semaphore(%arg9 : memref<!tpu.dma_semaphore, #tpu.memory_space<semaphore_mem>>) src(%dma_wait3A_22 : memref<10000x128xi32, #tpu.memory_space<hbm>>) dst(%arg6 : memref<128x128xi32, #tpu.memory_space<vmem>>)
    %add3A_23 = arith.constant 4864 : i32
    %add3A_24 = arith.addi %mul3A_2, %add3A_23 : i32
    %dma_start3A_25 = arith.constant 0 : i32
    %dma_start3A_26 = tpu.memref_slice %arg4[%add3A_24, %dma_start3A_25] : memref<160000x128xi32, #tpu.memory_space<hbm>> -> memref<128x128xi32, #tpu.memory_space<hbm>>
    %dma_start3A_27 = arith.constant 0 : i32
    %dma_start3A_28 = tpu.memref_slice %arg4[%add3A_24, %dma_start3A_27] : memref<160000x128xi32, #tpu.memory_space<hbm>> -> memref<128x128xi32, #tpu.memory_space<hbm>>
    tpu.enqueue_dma source(%arg6 : memref<128x128xi32, #tpu.memory_space<vmem>>) target(%dma_start3A_28 : memref<128x128xi32, #tpu.memory_space<hbm>>) target_semaphore(%arg11 : memref<!tpu.dma_semaphore, #tpu.memory_space<semaphore_mem>>)
    %dma_wait3A_29 = arith.constant 0 : i32
    %dma_wait3A_30 = tpu.memref_slice %arg4[%mul3A_2, %dma_wait3A_29] : memref<160000x128xi32, #tpu.memory_space<hbm>> -> memref<128x128xi32, #tpu.memory_space<hbm>>
    %dma_wait3A_31 = arith.constant 0 : i32
    %dma_wait3A_32 = tpu.memref_slice %arg4[%mul3A_2, %dma_wait3A_31] : memref<160000x128xi32, #tpu.memory_space<hbm>> -> memref<128x128xi32, #tpu.memory_space<hbm>>
    tpu.wait_dma2 semaphore(%arg11 : memref<!tpu.dma_semaphore, #tpu.memory_space<semaphore_mem>>) src(%arg6 : memref<128x128xi32, #tpu.memory_space<vmem>>) dst(%dma_wait3A_32 : memref<128x128xi32, #tpu.memory_space<hbm>>)
    %dma_start3A_33 = arith.constant 0 : i32
    %dma_start3A_34 = arith.constant 0 : i32
    %dma_start3A_35 = tpu.memref_slice %arg8[%dma_start3A_33, %dma_start3A_34] : memref<8x128xi32, #tpu.memory_space<vmem>> -> memref<8x128xi32, #tpu.memory_space<vmem>>
    %dma_start3A_36 = arith.constant 4992 : i32
    %dma_start3A_37 = tpu.memref_slice %arg5[%dma_start3A_36] : memref<5000xi32, #tpu.memory_space<vmem>> -> memref<8xi32, #tpu.memory_space<vmem>>
    %dma_start3A_38 = arith.constant 0 : i32
    %dma_start3A_39 = arith.constant 0 : i32
    %dma_start3A_40 = tpu.memref_slice %arg2[%dma_start3A_38, %dma_start3A_39] : memref<10000x128xi32, #tpu.memory_space<hbm>> -> memref<10000x128xi32, #tpu.memory_space<hbm>>
    tpu.enqueue_indirect_dma source(%dma_start3A_40 : memref<10000x128xi32, #tpu.memory_space<hbm>>) target(%dma_start3A_35 : memref<8x128xi32, #tpu.memory_space<vmem>>) offsets(%dma_start3A_37 : memref<8xi32, #tpu.memory_space<vmem>>) semaphore(%arg9 : memref<!tpu.dma_semaphore, #tpu.memory_space<semaphore_mem>>)
    %dma_wait3A_41 = arith.constant 0 : i32
    %dma_wait3A_42 = arith.constant 0 : i32
    %dma_wait3A_43 = tpu.memref_slice %arg8[%dma_wait3A_41, %dma_wait3A_42] : memref<8x128xi32, #tpu.memory_space<vmem>> -> memref<8x128xi32, #tpu.memory_space<vmem>>
    %dma_wait3A_44 = arith.constant 4992 : i32
    %dma_wait3A_45 = tpu.memref_slice %arg5[%dma_wait3A_44] : memref<5000xi32, #tpu.memory_space<vmem>> -> memref<8xi32, #tpu.memory_space<vmem>>
    %dma_wait3A_46 = arith.constant 0 : i32
    %dma_wait3A_47 = arith.constant 0 : i32
    %dma_wait3A_48 = tpu.memref_slice %arg2[%dma_wait3A_46, %dma_wait3A_47] : memref<10000x128xi32, #tpu.memory_space<hbm>> -> memref<10000x128xi32, #tpu.memory_space<hbm>>
    tpu.wait_indirect_dma semaphore(%arg9 : memref<!tpu.dma_semaphore, #tpu.memory_space<semaphore_mem>>) src(%dma_wait3A_48 : memref<10000x128xi32, #tpu.memory_space<hbm>>) dst(%dma_wait3A_43 : memref<8x128xi32, #tpu.memory_space<vmem>>)
    %add3A_49 = arith.constant 4992 : i32
    %add3A_50 = arith.addi %mul3A_2, %add3A_49 : i32
    "tpu.region"() ({
      %run_scoped3A = tpu.sem_alloc : memref<!tpu.dma_semaphore, #tpu.memory_space<semaphore_mem>>
      %dma_start3A_51 = arith.constant 0 : i32
      %dma_start3A_52 = arith.constant 0 : i32
      %dma_start3A_53 = tpu.memref_slice %arg8[%dma_start3A_51, %dma_start3A_52] : memref<8x128xi32, #tpu.memory_space<vmem>> -> memref<8x128xi32, #tpu.memory_space<vmem>>
      %dma_start3A_54 = arith.constant 0 : i32
      %dma_start3A_55 = tpu.memref_slice %arg4[%add3A_50, %dma_start3A_54] : memref<160000x128xi32, #tpu.memory_space<hbm>> -> memref<8x128xi32, #tpu.memory_space<hbm>>
      %dma_start3A_56 = arith.constant 0 : i32
      %dma_start3A_57 = tpu.memref_slice %arg4[%add3A_50, %dma_start3A_56] : memref<160000x128xi32, #tpu.memory_space<hbm>> -> memref<8x128xi32, #tpu.memory_space<hbm>>
      %dma_start3A_58 = arith.constant 0 : i32
      %dma_start3A_59 = arith.constant 0 : i32
      %dma_start3A_60 = tpu.memref_slice %arg8[%dma_start3A_58, %dma_start3A_59] : memref<8x128xi32, #tpu.memory_space<vmem>> -> memref<8x128xi32, #tpu.memory_space<vmem>>
      tpu.enqueue_dma source(%dma_start3A_60 : memref<8x128xi32, #tpu.memory_space<vmem>>) target(%dma_start3A_57 : memref<8x128xi32, #tpu.memory_space<hbm>>) target_semaphore(%run_scoped3A : memref<!tpu.dma_semaphore, #tpu.memory_space<semaphore_mem>>)
      %dma_wait3A_61 = arith.constant 0 : i32
      %dma_wait3A_62 = arith.constant 0 : i32
      %dma_wait3A_63 = tpu.memref_slice %arg8[%dma_wait3A_61, %dma_wait3A_62] : memref<8x128xi32, #tpu.memory_space<vmem>> -> memref<8x128xi32, #tpu.memory_space<vmem>>
      %dma_wait3A_64 = arith.constant 0 : i32
      %dma_wait3A_65 = tpu.memref_slice %arg4[%add3A_50, %dma_wait3A_64] : memref<160000x128xi32, #tpu.memory_space<hbm>> -> memref<8x128xi32, #tpu.memory_space<hbm>>
      %dma_wait3A_66 = arith.constant 0 : i32
      %dma_wait3A_67 = tpu.memref_slice %arg4[%add3A_50, %dma_wait3A_66] : memref<160000x128xi32, #tpu.memory_space<hbm>> -> memref<8x128xi32, #tpu.memory_space<hbm>>
      %dma_wait3A_68 = arith.constant 0 : i32
      %dma_wait3A_69 = arith.constant 0 : i32
      %dma_wait3A_70 = tpu.memref_slice %arg8[%dma_wait3A_68, %dma_wait3A_69] : memref<8x128xi32, #tpu.memory_space<vmem>> -> memref<8x128xi32, #tpu.memory_space<vmem>>
      tpu.wait_dma2 semaphore(%run_scoped3A : memref<!tpu.dma_semaphore, #tpu.memory_space<semaphore_mem>>) src(%dma_wait3A_70 : memref<8x128xi32, #tpu.memory_space<vmem>>) dst(%dma_wait3A_67 : memref<8x128xi32, #tpu.memory_space<hbm>>)
      tpu.yield
    }) : () -> ()
    return
  }
}

#map = affine_map<(d0, d1) -> (0, 0, 0)>
#map1 = affine_map<(d0, d1) -> (0)>
module attributes {stable_mosaic.version = 14 : i64} {
  func.func @k(%arg0: i32, %arg1: i32, %arg2: memref<2x160000x128xf32, #tpu.memory_space<hbm>>, %arg3: memref<160000xi32, #tpu.memory_space<hbm>>, %arg4: memref<2x10240x128xf32, #tpu.memory_space<hbm>>, %arg5: memref<2x10240x128xf32, #tpu.memory_space<hbm>>, %arg6: memref<10240xf32, #tpu.memory_space<hbm>>, %arg7: memref<16x1x10240xf32, #tpu.memory_space<hbm>>, %arg8: memref<80xi32, #tpu.memory_space<vmem>>, %arg9: memref<80xi32, #tpu.memory_space<vmem>>, %arg10: memref<80x128xf32, #tpu.memory_space<vmem>>, %arg11: memref<80x128xf32, #tpu.memory_space<vmem>>, %arg12: memref<1x10240xf32, #tpu.memory_space<vmem>>, %arg13: memref<16x1x640xf32, #tpu.memory_space<vmem>>, %arg14: memref<640xf32, #tpu.memory_space<vmem>>, %arg15: memref<10240x128xf32, #tpu.memory_space<vmem_shared>>, %arg16: memref<!tpu.dma_semaphore, #tpu.memory_space<semaphore_mem>>, %arg17: memref<!tpu.dma_semaphore, #tpu.memory_space<semaphore_mem>>, %arg18: memref<!tpu.dma_semaphore, #tpu.memory_space<semaphore_mem>>, %arg19: memref<!tpu.dma_semaphore, #tpu.memory_space<semaphore_mem>>) attributes {dimension_semantics = [#tpu.dimension_semantics<core_parallel>, #tpu.dimension_semantics<subcore_parallel>], iteration_bounds = array<i64: 2, 16>, scalar_prefetch = 0 : i64, scratch_operands = 12 : i64, tpu.core_type = #tpu.core_type<sc_vector_subcore>, window_params = [{transform_indices = #map}, {transform_indices = #map1}, {transform_indices = #map}, {transform_indices = #map}, {transform_indices = #map1}, {transform_indices = #map}]} {
    %mul3A = arith.constant 640 : i32
    %mul3A_0 = arith.muli %arg1, %mul3A : i32
    %mul3A_1 = arith.constant 640 : i32
    %mul3A_2 = arith.muli %arg1, %mul3A_1 : i32
    "tpu.region"() ({
      %run_scoped3A = tpu.sem_alloc : memref<!tpu.dma_semaphore, #tpu.memory_space<semaphore_mem>>
      %dma_start3A_57 = arith.constant 0 : i32
      %dma_start3A_58 = tpu.memref_slice %arg15[%mul3A_2, %dma_start3A_57] : memref<10240x128xf32, #tpu.memory_space<vmem_shared>> -> memref<640x128xf32, #tpu.memory_space<vmem_shared>>
      %dma_start3A_59 = arith.constant 0 : i32
      %dma_start3A_60 = tpu.memref_slice %arg4[%arg0, %mul3A_0, %dma_start3A_59] : memref<2x10240x128xf32, #tpu.memory_space<hbm>> -> memref<1x640x128xf32, #tpu.memory_space<hbm>>
      %dma_start3A_61 = tpu.memref_squeeze %dma_start3A_60 : memref<1x640x128xf32, #tpu.memory_space<hbm>> -> memref<640x128xf32, #tpu.memory_space<hbm>>
      tpu.enqueue_dma source(%dma_start3A_61 : memref<640x128xf32, #tpu.memory_space<hbm>>) target(%dma_start3A_58 : memref<640x128xf32, #tpu.memory_space<vmem_shared>>) target_semaphore(%run_scoped3A : memref<!tpu.dma_semaphore, #tpu.memory_space<semaphore_mem>>)
      %dma_wait3A_62 = arith.constant 0 : i32
      %dma_wait3A_63 = tpu.memref_slice %arg15[%mul3A_2, %dma_wait3A_62] : memref<10240x128xf32, #tpu.memory_space<vmem_shared>> -> memref<640x128xf32, #tpu.memory_space<vmem_shared>>
      %dma_wait3A_64 = arith.constant 0 : i32
      %dma_wait3A_65 = tpu.memref_slice %arg4[%arg0, %mul3A_0, %dma_wait3A_64] : memref<2x10240x128xf32, #tpu.memory_space<hbm>> -> memref<1x640x128xf32, #tpu.memory_space<hbm>>
      %dma_wait3A_66 = tpu.memref_squeeze %dma_wait3A_65 : memref<1x640x128xf32, #tpu.memory_space<hbm>> -> memref<640x128xf32, #tpu.memory_space<hbm>>
      tpu.wait_dma2 semaphore(%run_scoped3A : memref<!tpu.dma_semaphore, #tpu.memory_space<semaphore_mem>>) src(%dma_wait3A_66 : memref<640x128xf32, #tpu.memory_space<hbm>>) dst(%dma_wait3A_63 : memref<640x128xf32, #tpu.memory_space<vmem_shared>>)
      tpu.yield
    }) : () -> ()
    %eq3A = arith.constant 0 : i32
    %eq3A_3 = arith.cmpi eq, %arg0, %eq3A : i32
    %convert_element_type3A = arith.extui %eq3A_3 : i1 to i32
    %cond3A = arith.constant 0 : i32
    %cond3A_4 = arith.cmpi ne, %convert_element_type3A, %cond3A : i32
    scf.if %cond3A_4 {
      %broadcast_in_dim3A_57 = arith.constant 0.000000e+00 : f32
      %broadcast_in_dim3A_58 = vector.broadcast %broadcast_in_dim3A_57 : f32 to vector<16xf32>
      %scan3A_59 = arith.constant 0 : i32
      %scan3A_60 = arith.constant 0 : i32
      %scan3A_61 = arith.constant 640 : i32
      %scan3A_62 = arith.addi %scan3A_60, %scan3A_61 : i32
      %scan3A_63 = arith.constant 1 : i32
      scf.for %scan3A_65 = %scan3A_60 to %scan3A_62 step %scan3A_63  : i32 {
        %mul3A_66 = arith.constant 16 : i32
        %mul3A_67 = arith.muli %scan3A_65, %mul3A_66 : i32
        %swap3A = arith.constant 0 : i32
        %swap3A_68 = arith.index_cast %swap3A : i32 to index
        %swap3A_69 = arith.index_cast %mul3A_67 : i32 to index
        %swap3A_70 = tpu.vector_load %arg12[%swap3A_68, %swap3A_69] {strides = array<i32>} : memref<1x10240xf32, #tpu.memory_space<vmem>>, vector<16xf32>,
        tpu.vector_store %arg12[%swap3A_68, %swap3A_69], %broadcast_in_dim3A_58 {strides = array<i32>} : memref<1x10240xf32, #tpu.memory_space<vmem>>, vector<16xf32>,
      }
      %scan3A_64 = arith.constant 640 : i32
    } else {
    }
    %barrier3A = arith.constant 0 : index
    tpu.barrier barrier_id(%barrier3A)
    %broadcast_in_dim3A = arith.constant 1.000000e+00 : f32
    %broadcast_in_dim3A_5 = vector.broadcast %broadcast_in_dim3A : f32 to vector<16xf32>
    %mul3A_6 = arith.constant 10000 : i32
    %mul3A_7 = arith.muli %arg1, %mul3A_6 : i32
    %add3A = arith.constant 0 : i32
    %add3A_8 = arith.addi %mul3A_7, %add3A : i32
    %dma_start3A = tpu.memref_slice %arg3[%add3A_8] : memref<160000xi32, #tpu.memory_space<hbm>> -> memref<80xi32, #tpu.memory_space<hbm>>
    %dma_start3A_9 = tpu.memref_slice %arg3[%add3A_8] : memref<160000xi32, #tpu.memory_space<hbm>> -> memref<80xi32, #tpu.memory_space<hbm>>
    tpu.enqueue_dma source(%dma_start3A_9 : memref<80xi32, #tpu.memory_space<hbm>>) target(%arg8 : memref<80xi32, #tpu.memory_space<vmem>>) target_semaphore(%arg16 : memref<!tpu.dma_semaphore, #tpu.memory_space<semaphore_mem>>)
    %add3A_10 = arith.constant 0 : i32
    %add3A_11 = arith.addi %mul3A_7, %add3A_10 : i32
    %dma_start3A_12 = arith.constant 0 : i32
    %dma_start3A_13 = tpu.memref_slice %arg2[%arg0, %add3A_11, %dma_start3A_12] : memref<2x160000x128xf32, #tpu.memory_space<hbm>> -> memref<1x80x128xf32, #tpu.memory_space<hbm>>
    %dma_start3A_14 = tpu.memref_squeeze %dma_start3A_13 : memref<1x80x128xf32, #tpu.memory_space<hbm>> -> memref<80x128xf32, #tpu.memory_space<hbm>>
    %dma_start3A_15 = arith.constant 0 : i32
    %dma_start3A_16 = tpu.memref_slice %arg2[%arg0, %add3A_11, %dma_start3A_15] : memref<2x160000x128xf32, #tpu.memory_space<hbm>> -> memref<1x80x128xf32, #tpu.memory_space<hbm>>
    %dma_start3A_17 = tpu.memref_squeeze %dma_start3A_16 : memref<1x80x128xf32, #tpu.memory_space<hbm>> -> memref<80x128xf32, #tpu.memory_space<hbm>>
    tpu.enqueue_dma source(%dma_start3A_17 : memref<80x128xf32, #tpu.memory_space<hbm>>) target(%arg10 : memref<80x128xf32, #tpu.memory_space<vmem>>) target_semaphore(%arg18 : memref<!tpu.dma_semaphore, #tpu.memory_space<semaphore_mem>>)
    %add3A_18 = arith.constant 80 : i32
    %add3A_19 = arith.addi %mul3A_7, %add3A_18 : i32
    %dma_start3A_20 = tpu.memref_slice %arg3[%add3A_19] : memref<160000xi32, #tpu.memory_space<hbm>> -> memref<80xi32, #tpu.memory_space<hbm>>
    %dma_start3A_21 = tpu.memref_slice %arg3[%add3A_19] : memref<160000xi32, #tpu.memory_space<hbm>> -> memref<80xi32, #tpu.memory_space<hbm>>
    tpu.enqueue_dma source(%dma_start3A_21 : memref<80xi32, #tpu.memory_space<hbm>>) target(%arg9 : memref<80xi32, #tpu.memory_space<vmem>>) target_semaphore(%arg17 : memref<!tpu.dma_semaphore, #tpu.memory_space<semaphore_mem>>)
    %add3A_22 = arith.constant 80 : i32
    %add3A_23 = arith.addi %mul3A_7, %add3A_22 : i32
    %dma_start3A_24 = arith.constant 0 : i32
    %dma_start3A_25 = tpu.memref_slice %arg2[%arg0, %add3A_23, %dma_start3A_24] : memref<2x160000x128xf32, #tpu.memory_space<hbm>> -> memref<1x80x128xf32, #tpu.memory_space<hbm>>
    %dma_start3A_26 = tpu.memref_squeeze %dma_start3A_25 : memref<1x80x128xf32, #tpu.memory_space<hbm>> -> memref<80x128xf32, #tpu.memory_space<hbm>>
    %dma_start3A_27 = arith.constant 0 : i32
    %dma_start3A_28 = tpu.memref_slice %arg2[%arg0, %add3A_23, %dma_start3A_27] : memref<2x160000x128xf32, #tpu.memory_space<hbm>> -> memref<1x80x128xf32, #tpu.memory_space<hbm>>
    %dma_start3A_29 = tpu.memref_squeeze %dma_start3A_28 : memref<1x80x128xf32, #tpu.memory_space<hbm>> -> memref<80x128xf32, #tpu.memory_space<hbm>>
    tpu.enqueue_dma source(%dma_start3A_29 : memref<80x128xf32, #tpu.memory_space<hbm>>) target(%arg11 : memref<80x128xf32, #tpu.memory_space<vmem>>) target_semaphore(%arg19 : memref<!tpu.dma_semaphore, #tpu.memory_space<semaphore_mem>>)
    %scan3A = arith.constant 0 : i32
    %scan3A_30 = arith.constant 0 : i32
    %scan3A_31 = arith.constant 62 : i32
    %scan3A_32 = arith.addi %scan3A_30, %scan3A_31 : i32
    %scan3A_33 = arith.constant 1 : i32
    scf.for %scan3A_57 = %scan3A_30 to %scan3A_32 step %scan3A_33  : i32 {
      %dma_wait3A_58 = tpu.memref_slice %arg3[%mul3A_7] : memref<160000xi32, #tpu.memory_space<hbm>> -> memref<80xi32, #tpu.memory_space<hbm>>
      %dma_wait3A_59 = tpu.memref_slice %arg3[%mul3A_7] : memref<160000xi32, #tpu.memory_space<hbm>> -> memref<80xi32, #tpu.memory_space<hbm>>
      tpu.wait_dma2 semaphore(%arg16 : memref<!tpu.dma_semaphore, #tpu.memory_space<semaphore_mem>>) src(%dma_wait3A_59 : memref<80xi32, #tpu.memory_space<hbm>>) dst(%arg8 : memref<80xi32, #tpu.memory_space<vmem>>)
      %dma_wait3A_60 = arith.constant 0 : i32
      %dma_wait3A_61 = tpu.memref_slice %arg2[%arg0, %mul3A_7, %dma_wait3A_60] : memref<2x160000x128xf32, #tpu.memory_space<hbm>> -> memref<1x80x128xf32, #tpu.memory_space<hbm>>
      %dma_wait3A_62 = tpu.memref_squeeze %dma_wait3A_61 : memref<1x80x128xf32, #tpu.memory_space<hbm>> -> memref<80x128xf32, #tpu.memory_space<hbm>>
      %dma_wait3A_63 = arith.constant 0 : i32
      %dma_wait3A_64 = tpu.memref_slice %arg2[%arg0, %mul3A_7, %dma_wait3A_63] : memref<2x160000x128xf32, #tpu.memory_space<hbm>> -> memref<1x80x128xf32, #tpu.memory_space<hbm>>
      %dma_wait3A_65 = tpu.memref_squeeze %dma_wait3A_64 : memref<1x80x128xf32, #tpu.memory_space<hbm>> -> memref<80x128xf32, #tpu.memory_space<hbm>>
      tpu.wait_dma2 semaphore(%arg18 : memref<!tpu.dma_semaphore, #tpu.memory_space<semaphore_mem>>) src(%dma_wait3A_65 : memref<80x128xf32, #tpu.memory_space<hbm>>) dst(%arg10 : memref<80x128xf32, #tpu.memory_space<vmem>>)
      "tpu.region"() ({
        %run_scoped3A = tpu.sem_alloc : memref<!tpu.dma_semaphore, #tpu.memory_space<semaphore_mem>>
        %dma_start3A_101 = arith.constant 0 : i32
        %dma_start3A_102 = arith.constant 0 : i32
        %dma_start3A_103 = tpu.memref_slice %arg15[%dma_start3A_101, %dma_start3A_102] : memref<10240x128xf32, #tpu.memory_space<vmem_shared>> -> memref<10240x128xf32, #tpu.memory_space<vmem_shared>>
        tpu.enqueue_indirect_dma source(%arg10 : memref<80x128xf32, #tpu.memory_space<vmem>>) target(%dma_start3A_103 : memref<10240x128xf32, #tpu.memory_space<vmem_shared>>) offsets(%arg8 : memref<80xi32, #tpu.memory_space<vmem>>) semaphore(%run_scoped3A : memref<!tpu.dma_semaphore, #tpu.memory_space<semaphore_mem>>) {add = true}
        %dma_wait3A_104 = arith.constant 0 : i32
        %dma_wait3A_105 = arith.constant 0 : i32
        %dma_wait3A_106 = tpu.memref_slice %arg15[%dma_wait3A_104, %dma_wait3A_105] : memref<10240x128xf32, #tpu.memory_space<vmem_shared>> -> memref<10240x128xf32, #tpu.memory_space<vmem_shared>>
        tpu.wait_indirect_dma semaphore(%run_scoped3A : memref<!tpu.dma_semaphore, #tpu.memory_space<semaphore_mem>>) src(%arg10 : memref<80x128xf32, #tpu.memory_space<vmem>>) dst(%dma_wait3A_106 : memref<10240x128xf32, #tpu.memory_space<vmem_shared>>)
        tpu.yield
      }) : () -> ()
      %eq3A_66 = arith.constant 0 : i32
      %eq3A_67 = arith.cmpi eq, %arg0, %eq3A_66 : i32
      %convert_element_type3A_68 = arith.extui %eq3A_67 : i1 to i32
      %cond3A_69 = arith.constant 0 : i32
      %cond3A_70 = arith.cmpi ne, %convert_element_type3A_68, %cond3A_69 : i32
      scf.if %cond3A_70 {
        %get3A = arith.constant 0 : index
        %get3A_101 = tpu.vector_load %arg8[%get3A] {strides = array<i32>} : memref<80xi32, #tpu.memory_space<vmem>>, vector<16xi32>,
        %scatter3A = arith.constant 0 : i32
        %scatter3A_102 = arith.constant 0 : i32
        %scatter3A_103 = tpu.memref_slice %arg12[%scatter3A, %scatter3A_102] : memref<1x10240xf32, #tpu.memory_space<vmem>> -> memref<1x10240xf32, #tpu.memory_space<vmem>>
        %scatter3A_104 = tpu.memref_squeeze %scatter3A_103 : memref<1x10240xf32, #tpu.memory_space<vmem>> -> memref<10240xf32, #tpu.memory_space<vmem>>
        tpu.vector_store_idx %scatter3A_104[%get3A_101], %broadcast_in_dim3A_5 {add = true} : memref<10240xf32, #tpu.memory_space<vmem>>[vector<16xi32>], vector<16xf32>,
        %get3A_105 = arith.constant 16 : index
        %get3A_106 = tpu.vector_load %arg8[%get3A_105] {strides = array<i32>} : memref<80xi32, #tpu.memory_space<vmem>>, vector<16xi32>,
        %scatter3A_107 = arith.constant 0 : i32
        %scatter3A_108 = arith.constant 0 : i32
        %scatter3A_109 = tpu.memref_slice %arg12[%scatter3A_107, %scatter3A_108] : memref<1x10240xf32, #tpu.memory_space<vmem>> -> memref<1x10240xf32, #tpu.memory_space<vmem>>
        %scatter3A_110 = tpu.memref_squeeze %scatter3A_109 : memref<1x10240xf32, #tpu.memory_space<vmem>> -> memref<10240xf32, #tpu.memory_space<vmem>>
        tpu.vector_store_idx %scatter3A_110[%get3A_106], %broadcast_in_dim3A_5 {add = true} : memref<10240xf32, #tpu.memory_space<vmem>>[vector<16xi32>], vector<16xf32>,
        %get3A_111 = arith.constant 32 : index
        %get3A_112 = tpu.vector_load %arg8[%get3A_111] {strides = array<i32>} : memref<80xi32, #tpu.memory_space<vmem>>, vector<16xi32>,
        %scatter3A_113 = arith.constant 0 : i32
        %scatter3A_114 = arith.constant 0 : i32
        %scatter3A_115 = tpu.memref_slice %arg12[%scatter3A_113, %scatter3A_114] : memref<1x10240xf32, #tpu.memory_space<vmem>> -> memref<1x10240xf32, #tpu.memory_space<vmem>>
        %scatter3A_116 = tpu.memref_squeeze %scatter3A_115 : memref<1x10240xf32, #tpu.memory_space<vmem>> -> memref<10240xf32, #tpu.memory_space<vmem>>
        tpu.vector_store_idx %scatter3A_116[%get3A_112], %broadcast_in_dim3A_5 {add = true} : memref<10240xf32, #tpu.memory_space<vmem>>[vector<16xi32>], vector<16xf32>,
        %get3A_117 = arith.constant 48 : index
        %get3A_118 = tpu.vector_load %arg8[%get3A_117] {strides = array<i32>} : memref<80xi32, #tpu.memory_space<vmem>>, vector<16xi32>,
        %scatter3A_119 = arith.constant 0 : i32
        %scatter3A_120 = arith.constant 0 : i32
        %scatter3A_121 = tpu.memref_slice %arg12[%scatter3A_119, %scatter3A_120] : memref<1x10240xf32, #tpu.memory_space<vmem>> -> memref<1x10240xf32, #tpu.memory_space<vmem>>
        %scatter3A_122 = tpu.memref_squeeze %scatter3A_121 : memref<1x10240xf32, #tpu.memory_space<vmem>> -> memref<10240xf32, #tpu.memory_space<vmem>>
        tpu.vector_store_idx %scatter3A_122[%get3A_118], %broadcast_in_dim3A_5 {add = true} : memref<10240xf32, #tpu.memory_space<vmem>>[vector<16xi32>], vector<16xf32>,
        %get3A_123 = arith.constant 64 : index
        %get3A_124 = tpu.vector_load %arg8[%get3A_123] {strides = array<i32>} : memref<80xi32, #tpu.memory_space<vmem>>, vector<16xi32>,
        %scatter3A_125 = arith.constant 0 : i32
        %scatter3A_126 = arith.constant 0 : i32
        %scatter3A_127 = tpu.memref_slice %arg12[%scatter3A_125, %scatter3A_126] : memref<1x10240xf32, #tpu.memory_space<vmem>> -> memref<1x10240xf32, #tpu.memory_space<vmem>>
        %scatter3A_128 = tpu.memref_squeeze %scatter3A_127 : memref<1x10240xf32, #tpu.memory_space<vmem>> -> memref<10240xf32, #tpu.memory_space<vmem>>
        tpu.vector_store_idx %scatter3A_128[%get3A_124], %broadcast_in_dim3A_5 {add = true} : memref<10240xf32, #tpu.memory_space<vmem>>[vector<16xi32>], vector<16xf32>,
      } else {
      }
      %mul3A_71 = arith.constant 2 : i32
      %mul3A_72 = arith.muli %mul3A_71, %scan3A_57 : i32
      %add3A_73 = arith.constant 2 : i32
      %add3A_74 = arith.addi %mul3A_72, %add3A_73 : i32
      %le3A = arith.constant 124 : i32
      %le3A_75 = arith.cmpi sle, %add3A_74, %le3A : i32
      %convert_element_type3A_76 = arith.extui %le3A_75 : i1 to i32
      %cond3A_77 = arith.constant 0 : i32
      %cond3A_78 = arith.cmpi ne, %convert_element_type3A_76, %cond3A_77 : i32
      scf.if %cond3A_78 {
        %mul3A_101 = arith.constant 2 : i32
        %mul3A_102 = arith.muli %mul3A_101, %scan3A_57 : i32
        %add3A_103 = arith.constant 2 : i32
        %add3A_104 = arith.addi %mul3A_102, %add3A_103 : i32
        %mul3A_105 = arith.constant 80 : i32
        %mul3A_106 = arith.muli %add3A_104, %mul3A_105 : i32
        %add3A_107 = arith.addi %mul3A_7, %mul3A_106 : i32
        %dma_start3A_108 = tpu.memref_slice %arg3[%add3A_107] : memref<160000xi32, #tpu.memory_space<hbm>> -> memref<80xi32, #tpu.memory_space<hbm>>
        %dma_start3A_109 = tpu.memref_slice %arg3[%add3A_107] : memref<160000xi32, #tpu.memory_space<hbm>> -> memref<80xi32, #tpu.memory_space<hbm>>
        tpu.enqueue_dma source(%dma_start3A_109 : memref<80xi32, #tpu.memory_space<hbm>>) target(%arg8 : memref<80xi32, #tpu.memory_space<vmem>>) target_semaphore(%arg16 : memref<!tpu.dma_semaphore, #tpu.memory_space<semaphore_mem>>)
        %mul3A_110 = arith.constant 80 : i32
        %mul3A_111 = arith.muli %add3A_104, %mul3A_110 : i32
        %add3A_112 = arith.addi %mul3A_7, %mul3A_111 : i32
        %dma_start3A_113 = arith.constant 0 : i32
        %dma_start3A_114 = tpu.memref_slice %arg2[%arg0, %add3A_112, %dma_start3A_113] : memref<2x160000x128xf32, #tpu.memory_space<hbm>> -> memref<1x80x128xf32, #tpu.memory_space<hbm>>
        %dma_start3A_115 = tpu.memref_squeeze %dma_start3A_114 : memref<1x80x128xf32, #tpu.memory_space<hbm>> -> memref<80x128xf32, #tpu.memory_space<hbm>>
        %dma_start3A_116 = arith.constant 0 : i32
        %dma_start3A_117 = tpu.memref_slice %arg2[%arg0, %add3A_112, %dma_start3A_116] : memref<2x160000x128xf32, #tpu.memory_space<hbm>> -> memref<1x80x128xf32, #tpu.memory_space<hbm>>
        %dma_start3A_118 = tpu.memref_squeeze %dma_start3A_117 : memref<1x80x128xf32, #tpu.memory_space<hbm>> -> memref<80x128xf32, #tpu.memory_space<hbm>>
        tpu.enqueue_dma source(%dma_start3A_118 : memref<80x128xf32, #tpu.memory_space<hbm>>) target(%arg10 : memref<80x128xf32, #tpu.memory_space<vmem>>) target_semaphore(%arg18 : memref<!tpu.dma_semaphore, #tpu.memory_space<semaphore_mem>>)
      } else {
      }
      %dma_wait3A_79 = tpu.memref_slice %arg3[%mul3A_7] : memref<160000xi32, #tpu.memory_space<hbm>> -> memref<80xi32, #tpu.memory_space<hbm>>
      %dma_wait3A_80 = tpu.memref_slice %arg3[%mul3A_7] : memref<160000xi32, #tpu.memory_space<hbm>> -> memref<80xi32, #tpu.memory_space<hbm>>
      tpu.wait_dma2 semaphore(%arg17 : memref<!tpu.dma_semaphore, #tpu.memory_space<semaphore_mem>>) src(%dma_wait3A_80 : memref<80xi32, #tpu.memory_space<hbm>>) dst(%arg9 : memref<80xi32, #tpu.memory_space<vmem>>)
      %dma_wait3A_81 = arith.constant 0 : i32
      %dma_wait3A_82 = tpu.memref_slice %arg2[%arg0, %mul3A_7, %dma_wait3A_81] : memref<2x160000x128xf32, #tpu.memory_space<hbm>> -> memref<1x80x128xf32, #tpu.memory_space<hbm>>
      %dma_wait3A_83 = tpu.memref_squeeze %dma_wait3A_82 : memref<1x80x128xf32, #tpu.memory_space<hbm>> -> memref<80x128xf32, #tpu.memory_space<hbm>>
      %dma_wait3A_84 = arith.constant 0 : i32
      %dma_wait3A_85 = tpu.memref_slice %arg2[%arg0, %mul3A_7, %dma_wait3A_84] : memref<2x160000x128xf32, #tpu.memory_space<hbm>> -> memref<1x80x128xf32, #tpu.memory_space<hbm>>
      %dma_wait3A_86 = tpu.memref_squeeze %dma_wait3A_85 : memref<1x80x128xf32, #tpu.memory_space<hbm>> -> memref<80x128xf32, #tpu.memory_space<hbm>>
      tpu.wait_dma2 semaphore(%arg19 : memref<!tpu.dma_semaphore, #tpu.memory_space<semaphore_mem>>) src(%dma_wait3A_86 : memref<80x128xf32, #tpu.memory_space<hbm>>) dst(%arg11 : memref<80x128xf32, #tpu.memory_space<vmem>>)
      "tpu.region"() ({
        %run_scoped3A = tpu.sem_alloc : memref<!tpu.dma_semaphore, #tpu.memory_space<semaphore_mem>>
        %dma_start3A_101 = arith.constant 0 : i32
        %dma_start3A_102 = arith.constant 0 : i32
        %dma_start3A_103 = tpu.memref_slice %arg15[%dma_start3A_101, %dma_start3A_102] : memref<10240x128xf32, #tpu.memory_space<vmem_shared>> -> memref<10240x128xf32, #tpu.memory_space<vmem_shared>>
        tpu.enqueue_indirect_dma source(%arg11 : memref<80x128xf32, #tpu.memory_space<vmem>>) target(%dma_start3A_103 : memref<10240x128xf32, #tpu.memory_space<vmem_shared>>) offsets(%arg9 : memref<80xi32, #tpu.memory_space<vmem>>) semaphore(%run_scoped3A : memref<!tpu.dma_semaphore, #tpu.memory_space<semaphore_mem>>) {add = true}
        %dma_wait3A_104 = arith.constant 0 : i32
        %dma_wait3A_105 = arith.constant 0 : i32
        %dma_wait3A_106 = tpu.memref_slice %arg15[%dma_wait3A_104, %dma_wait3A_105] : memref<10240x128xf32, #tpu.memory_space<vmem_shared>> -> memref<10240x128xf32, #tpu.memory_space<vmem_shared>>
        tpu.wait_indirect_dma semaphore(%run_scoped3A : memref<!tpu.dma_semaphore, #tpu.memory_space<semaphore_mem>>) src(%arg11 : memref<80x128xf32, #tpu.memory_space<vmem>>) dst(%dma_wait3A_106 : memref<10240x128xf32, #tpu.memory_space<vmem_shared>>)
        tpu.yield
      }) : () -> ()
      %eq3A_87 = arith.constant 0 : i32
      %eq3A_88 = arith.cmpi eq, %arg0, %eq3A_87 : i32
      %convert_element_type3A_89 = arith.extui %eq3A_88 : i1 to i32
      %cond3A_90 = arith.constant 0 : i32
      %cond3A_91 = arith.cmpi ne, %convert_element_type3A_89, %cond3A_90 : i32
      scf.if %cond3A_91 {
        %get3A = arith.constant 0 : index
        %get3A_101 = tpu.vector_load %arg9[%get3A] {strides = array<i32>} : memref<80xi32, #tpu.memory_space<vmem>>, vector<16xi32>,
        %scatter3A = arith.constant 0 : i32
        %scatter3A_102 = arith.constant 0 : i32
        %scatter3A_103 = tpu.memref_slice %arg12[%scatter3A, %scatter3A_102] : memref<1x10240xf32, #tpu.memory_space<vmem>> -> memref<1x10240xf32, #tpu.memory_space<vmem>>
        %scatter3A_104 = tpu.memref_squeeze %scatter3A_103 : memref<1x10240xf32, #tpu.memory_space<vmem>> -> memref<10240xf32, #tpu.memory_space<vmem>>
        tpu.vector_store_idx %scatter3A_104[%get3A_101], %broadcast_in_dim3A_5 {add = true} : memref<10240xf32, #tpu.memory_space<vmem>>[vector<16xi32>], vector<16xf32>,
        %get3A_105 = arith.constant 16 : index
        %get3A_106 = tpu.vector_load %arg9[%get3A_105] {strides = array<i32>} : memref<80xi32, #tpu.memory_space<vmem>>, vector<16xi32>,
        %scatter3A_107 = arith.constant 0 : i32
        %scatter3A_108 = arith.constant 0 : i32
        %scatter3A_109 = tpu.memref_slice %arg12[%scatter3A_107, %scatter3A_108] : memref<1x10240xf32, #tpu.memory_space<vmem>> -> memref<1x10240xf32, #tpu.memory_space<vmem>>
        %scatter3A_110 = tpu.memref_squeeze %scatter3A_109 : memref<1x10240xf32, #tpu.memory_space<vmem>> -> memref<10240xf32, #tpu.memory_space<vmem>>
        tpu.vector_store_idx %scatter3A_110[%get3A_106], %broadcast_in_dim3A_5 {add = true} : memref<10240xf32, #tpu.memory_space<vmem>>[vector<16xi32>], vector<16xf32>,
        %get3A_111 = arith.constant 32 : index
        %get3A_112 = tpu.vector_load %arg9[%get3A_111] {strides = array<i32>} : memref<80xi32, #tpu.memory_space<vmem>>, vector<16xi32>,
        %scatter3A_113 = arith.constant 0 : i32
        %scatter3A_114 = arith.constant 0 : i32
        %scatter3A_115 = tpu.memref_slice %arg12[%scatter3A_113, %scatter3A_114] : memref<1x10240xf32, #tpu.memory_space<vmem>> -> memref<1x10240xf32, #tpu.memory_space<vmem>>
        %scatter3A_116 = tpu.memref_squeeze %scatter3A_115 : memref<1x10240xf32, #tpu.memory_space<vmem>> -> memref<10240xf32, #tpu.memory_space<vmem>>
        tpu.vector_store_idx %scatter3A_116[%get3A_112], %broadcast_in_dim3A_5 {add = true} : memref<10240xf32, #tpu.memory_space<vmem>>[vector<16xi32>], vector<16xf32>,
        %get3A_117 = arith.constant 48 : index
        %get3A_118 = tpu.vector_load %arg9[%get3A_117] {strides = array<i32>} : memref<80xi32, #tpu.memory_space<vmem>>, vector<16xi32>,
        %scatter3A_119 = arith.constant 0 : i32
        %scatter3A_120 = arith.constant 0 : i32
        %scatter3A_121 = tpu.memref_slice %arg12[%scatter3A_119, %scatter3A_120] : memref<1x10240xf32, #tpu.memory_space<vmem>> -> memref<1x10240xf32, #tpu.memory_space<vmem>>
        %scatter3A_122 = tpu.memref_squeeze %scatter3A_121 : memref<1x10240xf32, #tpu.memory_space<vmem>> -> memref<10240xf32, #tpu.memory_space<vmem>>
        tpu.vector_store_idx %scatter3A_122[%get3A_118], %broadcast_in_dim3A_5 {add = true} : memref<10240xf32, #tpu.memory_space<vmem>>[vector<16xi32>], vector<16xf32>,
        %get3A_123 = arith.constant 64 : index
        %get3A_124 = tpu.vector_load %arg9[%get3A_123] {strides = array<i32>} : memref<80xi32, #tpu.memory_space<vmem>>, vector<16xi32>,
        %scatter3A_125 = arith.constant 0 : i32
        %scatter3A_126 = arith.constant 0 : i32
        %scatter3A_127 = tpu.memref_slice %arg12[%scatter3A_125, %scatter3A_126] : memref<1x10240xf32, #tpu.memory_space<vmem>> -> memref<1x10240xf32, #tpu.memory_space<vmem>>
        %scatter3A_128 = tpu.memref_squeeze %scatter3A_127 : memref<1x10240xf32, #tpu.memory_space<vmem>> -> memref<10240xf32, #tpu.memory_space<vmem>>
        tpu.vector_store_idx %scatter3A_128[%get3A_124], %broadcast_in_dim3A_5 {add = true} : memref<10240xf32, #tpu.memory_space<vmem>>[vector<16xi32>], vector<16xf32>,
      } else {
      }
      %mul3A_92 = arith.constant 2 : i32
      %mul3A_93 = arith.muli %mul3A_92, %scan3A_57 : i32
      %add3A_94 = arith.constant 3 : i32
      %add3A_95 = arith.addi %mul3A_93, %add3A_94 : i32
      %le3A_96 = arith.constant 124 : i32
      %le3A_97 = arith.cmpi sle, %add3A_95, %le3A_96 : i32
      %convert_element_type3A_98 = arith.extui %le3A_97 : i1 to i32
      %cond3A_99 = arith.constant 0 : i32
      %cond3A_100 = arith.cmpi ne, %convert_element_type3A_98, %cond3A_99 : i32
      scf.if %cond3A_100 {
        %mul3A_101 = arith.constant 2 : i32
        %mul3A_102 = arith.muli %mul3A_101, %scan3A_57 : i32
        %add3A_103 = arith.constant 3 : i32
        %add3A_104 = arith.addi %mul3A_102, %add3A_103 : i32
        %mul3A_105 = arith.constant 80 : i32
        %mul3A_106 = arith.muli %add3A_104, %mul3A_105 : i32
        %add3A_107 = arith.addi %mul3A_7, %mul3A_106 : i32
        %dma_start3A_108 = tpu.memref_slice %arg3[%add3A_107] : memref<160000xi32, #tpu.memory_space<hbm>> -> memref<80xi32, #tpu.memory_space<hbm>>
        %dma_start3A_109 = tpu.memref_slice %arg3[%add3A_107] : memref<160000xi32, #tpu.memory_space<hbm>> -> memref<80xi32, #tpu.memory_space<hbm>>
        tpu.enqueue_dma source(%dma_start3A_109 : memref<80xi32, #tpu.memory_space<hbm>>) target(%arg9 : memref<80xi32, #tpu.memory_space<vmem>>) target_semaphore(%arg17 : memref<!tpu.dma_semaphore, #tpu.memory_space<semaphore_mem>>)
        %mul3A_110 = arith.constant 80 : i32
        %mul3A_111 = arith.muli %add3A_104, %mul3A_110 : i32
        %add3A_112 = arith.addi %mul3A_7, %mul3A_111 : i32
        %dma_start3A_113 = arith.constant 0 : i32
        %dma_start3A_114 = tpu.memref_slice %arg2[%arg0, %add3A_112, %dma_start3A_113] : memref<2x160000x128xf32, #tpu.memory_space<hbm>> -> memref<1x80x128xf32, #tpu.memory_space<hbm>>
        %dma_start3A_115 = tpu.memref_squeeze %dma_start3A_114 : memref<1x80x128xf32, #tpu.memory_space<hbm>> -> memref<80x128xf32, #tpu.memory_space<hbm>>
        %dma_start3A_116 = arith.constant 0 : i32
        %dma_start3A_117 = tpu.memref_slice %arg2[%arg0, %add3A_112, %dma_start3A_116] : memref<2x160000x128xf32, #tpu.memory_space<hbm>> -> memref<1x80x128xf32, #tpu.memory_space<hbm>>
        %dma_start3A_118 = tpu.memref_squeeze %dma_start3A_117 : memref<1x80x128xf32, #tpu.memory_space<hbm>> -> memref<80x128xf32, #tpu.memory_space<hbm>>
        tpu.enqueue_dma source(%dma_start3A_118 : memref<80x128xf32, #tpu.memory_space<hbm>>) target(%arg11 : memref<80x128xf32, #tpu.memory_space<vmem>>) target_semaphore(%arg19 : memref<!tpu.dma_semaphore, #tpu.memory_space<semaphore_mem>>)
      } else {
      }
    }
    %scan3A_34 = arith.constant 62 : i32
    %dma_wait3A = tpu.memref_slice %arg3[%mul3A_7] : memref<160000xi32, #tpu.memory_space<hbm>> -> memref<80xi32, #tpu.memory_space<hbm>>
    %dma_wait3A_35 = tpu.memref_slice %arg3[%mul3A_7] : memref<160000xi32, #tpu.memory_space<hbm>> -> memref<80xi32, #tpu.memory_space<hbm>>
    tpu.wait_dma2 semaphore(%arg16 : memref<!tpu.dma_semaphore, #tpu.memory_space<semaphore_mem>>) src(%dma_wait3A_35 : memref<80xi32, #tpu.memory_space<hbm>>) dst(%arg8 : memref<80xi32, #tpu.memory_space<vmem>>)
    %dma_wait3A_36 = arith.constant 0 : i32
    %dma_wait3A_37 = tpu.memref_slice %arg2[%arg0, %mul3A_7, %dma_wait3A_36] : memref<2x160000x128xf32, #tpu.memory_space<hbm>> -> memref<1x80x128xf32, #tpu.memory_space<hbm>>
    %dma_wait3A_38 = tpu.memref_squeeze %dma_wait3A_37 : memref<1x80x128xf32, #tpu.memory_space<hbm>> -> memref<80x128xf32, #tpu.memory_space<hbm>>
    %dma_wait3A_39 = arith.constant 0 : i32
    %dma_wait3A_40 = tpu.memref_slice %arg2[%arg0, %mul3A_7, %dma_wait3A_39] : memref<2x160000x128xf32, #tpu.memory_space<hbm>> -> memref<1x80x128xf32, #tpu.memory_space<hbm>>
    %dma_wait3A_41 = tpu.memref_squeeze %dma_wait3A_40 : memref<1x80x128xf32, #tpu.memory_space<hbm>> -> memref<80x128xf32, #tpu.memory_space<hbm>>
    tpu.wait_dma2 semaphore(%arg18 : memref<!tpu.dma_semaphore, #tpu.memory_space<semaphore_mem>>) src(%dma_wait3A_41 : memref<80x128xf32, #tpu.memory_space<hbm>>) dst(%arg10 : memref<80x128xf32, #tpu.memory_space<vmem>>)
    "tpu.region"() ({
      %run_scoped3A = tpu.sem_alloc : memref<!tpu.dma_semaphore, #tpu.memory_space<semaphore_mem>>
      %dma_start3A_57 = arith.constant 0 : i32
      %dma_start3A_58 = arith.constant 0 : i32
      %dma_start3A_59 = tpu.memref_slice %arg15[%dma_start3A_57, %dma_start3A_58] : memref<10240x128xf32, #tpu.memory_space<vmem_shared>> -> memref<10240x128xf32, #tpu.memory_space<vmem_shared>>
      tpu.enqueue_indirect_dma source(%arg10 : memref<80x128xf32, #tpu.memory_space<vmem>>) target(%dma_start3A_59 : memref<10240x128xf32, #tpu.memory_space<vmem_shared>>) offsets(%arg8 : memref<80xi32, #tpu.memory_space<vmem>>) semaphore(%run_scoped3A : memref<!tpu.dma_semaphore, #tpu.memory_space<semaphore_mem>>) {add = true}
      %dma_wait3A_60 = arith.constant 0 : i32
      %dma_wait3A_61 = arith.constant 0 : i32
      %dma_wait3A_62 = tpu.memref_slice %arg15[%dma_wait3A_60, %dma_wait3A_61] : memref<10240x128xf32, #tpu.memory_space<vmem_shared>> -> memref<10240x128xf32, #tpu.memory_space<vmem_shared>>
      tpu.wait_indirect_dma semaphore(%run_scoped3A : memref<!tpu.dma_semaphore, #tpu.memory_space<semaphore_mem>>) src(%arg10 : memref<80x128xf32, #tpu.memory_space<vmem>>) dst(%dma_wait3A_62 : memref<10240x128xf32, #tpu.memory_space<vmem_shared>>)
      tpu.yield
    }) : () -> ()
    %eq3A_42 = arith.constant 0 : i32
    %eq3A_43 = arith.cmpi eq, %arg0, %eq3A_42 : i32
    %convert_element_type3A_44 = arith.extui %eq3A_43 : i1 to i32
    %cond3A_45 = arith.constant 0 : i32
    %cond3A_46 = arith.cmpi ne, %convert_element_type3A_44, %cond3A_45 : i32
    scf.if %cond3A_46 {
      %get3A = arith.constant 0 : index
      %get3A_57 = tpu.vector_load %arg8[%get3A] {strides = array<i32>} : memref<80xi32, #tpu.memory_space<vmem>>, vector<16xi32>,
      %scatter3A = arith.constant 0 : i32
      %scatter3A_58 = arith.constant 0 : i32
      %scatter3A_59 = tpu.memref_slice %arg12[%scatter3A, %scatter3A_58] : memref<1x10240xf32, #tpu.memory_space<vmem>> -> memref<1x10240xf32, #tpu.memory_space<vmem>>
      %scatter3A_60 = tpu.memref_squeeze %scatter3A_59 : memref<1x10240xf32, #tpu.memory_space<vmem>> -> memref<10240xf32, #tpu.memory_space<vmem>>
      tpu.vector_store_idx %scatter3A_60[%get3A_57], %broadcast_in_dim3A_5 {add = true} : memref<10240xf32, #tpu.memory_space<vmem>>[vector<16xi32>], vector<16xf32>,
      %get3A_61 = arith.constant 16 : index
      %get3A_62 = tpu.vector_load %arg8[%get3A_61] {strides = array<i32>} : memref<80xi32, #tpu.memory_space<vmem>>, vector<16xi32>,
      %scatter3A_63 = arith.constant 0 : i32
      %scatter3A_64 = arith.constant 0 : i32
      %scatter3A_65 = tpu.memref_slice %arg12[%scatter3A_63, %scatter3A_64] : memref<1x10240xf32, #tpu.memory_space<vmem>> -> memref<1x10240xf32, #tpu.memory_space<vmem>>
      %scatter3A_66 = tpu.memref_squeeze %scatter3A_65 : memref<1x10240xf32, #tpu.memory_space<vmem>> -> memref<10240xf32, #tpu.memory_space<vmem>>
      tpu.vector_store_idx %scatter3A_66[%get3A_62], %broadcast_in_dim3A_5 {add = true} : memref<10240xf32, #tpu.memory_space<vmem>>[vector<16xi32>], vector<16xf32>,
      %get3A_67 = arith.constant 32 : index
      %get3A_68 = tpu.vector_load %arg8[%get3A_67] {strides = array<i32>} : memref<80xi32, #tpu.memory_space<vmem>>, vector<16xi32>,
      %scatter3A_69 = arith.constant 0 : i32
      %scatter3A_70 = arith.constant 0 : i32
      %scatter3A_71 = tpu.memref_slice %arg12[%scatter3A_69, %scatter3A_70] : memref<1x10240xf32, #tpu.memory_space<vmem>> -> memref<1x10240xf32, #tpu.memory_space<vmem>>
      %scatter3A_72 = tpu.memref_squeeze %scatter3A_71 : memref<1x10240xf32, #tpu.memory_space<vmem>> -> memref<10240xf32, #tpu.memory_space<vmem>>
      tpu.vector_store_idx %scatter3A_72[%get3A_68], %broadcast_in_dim3A_5 {add = true} : memref<10240xf32, #tpu.memory_space<vmem>>[vector<16xi32>], vector<16xf32>,
      %get3A_73 = arith.constant 48 : index
      %get3A_74 = tpu.vector_load %arg8[%get3A_73] {strides = array<i32>} : memref<80xi32, #tpu.memory_space<vmem>>, vector<16xi32>,
      %scatter3A_75 = arith.constant 0 : i32
      %scatter3A_76 = arith.constant 0 : i32
      %scatter3A_77 = tpu.memref_slice %arg12[%scatter3A_75, %scatter3A_76] : memref<1x10240xf32, #tpu.memory_space<vmem>> -> memref<1x10240xf32, #tpu.memory_space<vmem>>
      %scatter3A_78 = tpu.memref_squeeze %scatter3A_77 : memref<1x10240xf32, #tpu.memory_space<vmem>> -> memref<10240xf32, #tpu.memory_space<vmem>>
      tpu.vector_store_idx %scatter3A_78[%get3A_74], %broadcast_in_dim3A_5 {add = true} : memref<10240xf32, #tpu.memory_space<vmem>>[vector<16xi32>], vector<16xf32>,
      %get3A_79 = arith.constant 64 : index
      %get3A_80 = tpu.vector_load %arg8[%get3A_79] {strides = array<i32>} : memref<80xi32, #tpu.memory_space<vmem>>, vector<16xi32>,
      %scatter3A_81 = arith.constant 0 : i32
      %scatter3A_82 = arith.constant 0 : i32
      %scatter3A_83 = tpu.memref_slice %arg12[%scatter3A_81, %scatter3A_82] : memref<1x10240xf32, #tpu.memory_space<vmem>> -> memref<1x10240xf32, #tpu.memory_space<vmem>>
      %scatter3A_84 = tpu.memref_squeeze %scatter3A_83 : memref<1x10240xf32, #tpu.memory_space<vmem>> -> memref<10240xf32, #tpu.memory_space<vmem>>
      tpu.vector_store_idx %scatter3A_84[%get3A_80], %broadcast_in_dim3A_5 {add = true} : memref<10240xf32, #tpu.memory_space<vmem>>[vector<16xi32>], vector<16xf32>,
    } else {
    }
    %barrier3A_47 = arith.constant 0 : index
    tpu.barrier barrier_id(%barrier3A_47)
    %mul3A_48 = arith.constant 640 : i32
    %mul3A_49 = arith.muli %arg1, %mul3A_48 : i32
    %mul3A_50 = arith.constant 640 : i32
    %mul3A_51 = arith.muli %arg1, %mul3A_50 : i32
    "tpu.region"() ({
      %run_scoped3A = tpu.sem_alloc : memref<!tpu.dma_semaphore, #tpu.memory_space<semaphore_mem>>
      %dma_start3A_57 = arith.constant 0 : i32
      %dma_start3A_58 = tpu.memref_slice %arg5[%arg0, %mul3A_51, %dma_start3A_57] : memref<2x10240x128xf32, #tpu.memory_space<hbm>> -> memref<1x640x128xf32, #tpu.memory_space<hbm>>
      %dma_start3A_59 = tpu.memref_squeeze %dma_start3A_58 : memref<1x640x128xf32, #tpu.memory_space<hbm>> -> memref<640x128xf32, #tpu.memory_space<hbm>>
      %dma_start3A_60 = arith.constant 0 : i32
      %dma_start3A_61 = tpu.memref_slice %arg15[%mul3A_49, %dma_start3A_60] : memref<10240x128xf32, #tpu.memory_space<vmem_shared>> -> memref<640x128xf32, #tpu.memory_space<vmem_shared>>
      tpu.enqueue_dma source(%dma_start3A_61 : memref<640x128xf32, #tpu.memory_space<vmem_shared>>) target(%dma_start3A_59 : memref<640x128xf32, #tpu.memory_space<hbm>>) target_semaphore(%run_scoped3A : memref<!tpu.dma_semaphore, #tpu.memory_space<semaphore_mem>>)
      %dma_wait3A_62 = arith.constant 0 : i32
      %dma_wait3A_63 = tpu.memref_slice %arg5[%arg0, %mul3A_51, %dma_wait3A_62] : memref<2x10240x128xf32, #tpu.memory_space<hbm>> -> memref<1x640x128xf32, #tpu.memory_space<hbm>>
      %dma_wait3A_64 = tpu.memref_squeeze %dma_wait3A_63 : memref<1x640x128xf32, #tpu.memory_space<hbm>> -> memref<640x128xf32, #tpu.memory_space<hbm>>
      %dma_wait3A_65 = arith.constant 0 : i32
      %dma_wait3A_66 = tpu.memref_slice %arg15[%mul3A_49, %dma_wait3A_65] : memref<10240x128xf32, #tpu.memory_space<vmem_shared>> -> memref<640x128xf32, #tpu.memory_space<vmem_shared>>
      tpu.wait_dma2 semaphore(%run_scoped3A : memref<!tpu.dma_semaphore, #tpu.memory_space<semaphore_mem>>) src(%dma_wait3A_66 : memref<640x128xf32, #tpu.memory_space<vmem_shared>>) dst(%dma_wait3A_64 : memref<640x128xf32, #tpu.memory_space<hbm>>)
      tpu.yield
    }) : () -> ()
    %eq3A_52 = arith.constant 0 : i32
    %eq3A_53 = arith.cmpi eq, %arg0, %eq3A_52 : i32
    %convert_element_type3A_54 = arith.extui %eq3A_53 : i1 to i32
    %cond3A_55 = arith.constant 0 : i32
    %cond3A_56 = arith.cmpi ne, %convert_element_type3A_54, %cond3A_55 : i32
    scf.if %cond3A_56 {
      "tpu.region"() ({
        %run_scoped3A = tpu.sem_alloc : memref<!tpu.dma_semaphore, #tpu.memory_space<semaphore_mem>>
        %dma_start3A_68 = arith.constant 0 : i32
        %dma_start3A_69 = arith.constant 0 : i32
        %dma_start3A_70 = tpu.memref_slice %arg7[%arg1, %dma_start3A_68, %dma_start3A_69] : memref<16x1x10240xf32, #tpu.memory_space<hbm>> -> memref<1x1x10240xf32, #tpu.memory_space<hbm>>
        %dma_start3A_71 = tpu.memref_squeeze %dma_start3A_70 : memref<1x1x10240xf32, #tpu.memory_space<hbm>> -> memref<1x10240xf32, #tpu.memory_space<hbm>>
        %dma_start3A_72 = arith.constant 0 : i32
        %dma_start3A_73 = arith.constant 0 : i32
        %dma_start3A_74 = tpu.memref_slice %arg7[%arg1, %dma_start3A_72, %dma_start3A_73] : memref<16x1x10240xf32, #tpu.memory_space<hbm>> -> memref<1x1x10240xf32, #tpu.memory_space<hbm>>
        %dma_start3A_75 = tpu.memref_squeeze %dma_start3A_74 : memref<1x1x10240xf32, #tpu.memory_space<hbm>> -> memref<1x10240xf32, #tpu.memory_space<hbm>>
        tpu.enqueue_dma source(%arg12 : memref<1x10240xf32, #tpu.memory_space<vmem>>) target(%dma_start3A_75 : memref<1x10240xf32, #tpu.memory_space<hbm>>) target_semaphore(%run_scoped3A : memref<!tpu.dma_semaphore, #tpu.memory_space<semaphore_mem>>)
        %dma_wait3A_76 = arith.constant 0 : i32
        %dma_wait3A_77 = arith.constant 0 : i32
        %dma_wait3A_78 = tpu.memref_slice %arg7[%arg1, %dma_wait3A_76, %dma_wait3A_77] : memref<16x1x10240xf32, #tpu.memory_space<hbm>> -> memref<1x1x10240xf32, #tpu.memory_space<hbm>>
        %dma_wait3A_79 = tpu.memref_squeeze %dma_wait3A_78 : memref<1x1x10240xf32, #tpu.memory_space<hbm>> -> memref<1x10240xf32, #tpu.memory_space<hbm>>
        %dma_wait3A_80 = arith.constant 0 : i32
        %dma_wait3A_81 = arith.constant 0 : i32
        %dma_wait3A_82 = tpu.memref_slice %arg7[%arg1, %dma_wait3A_80, %dma_wait3A_81] : memref<16x1x10240xf32, #tpu.memory_space<hbm>> -> memref<1x1x10240xf32, #tpu.memory_space<hbm>>
        %dma_wait3A_83 = tpu.memref_squeeze %dma_wait3A_82 : memref<1x1x10240xf32, #tpu.memory_space<hbm>> -> memref<1x10240xf32, #tpu.memory_space<hbm>>
        tpu.wait_dma2 semaphore(%run_scoped3A : memref<!tpu.dma_semaphore, #tpu.memory_space<semaphore_mem>>) src(%arg12 : memref<1x10240xf32, #tpu.memory_space<vmem>>) dst(%dma_wait3A_83 : memref<1x10240xf32, #tpu.memory_space<hbm>>)
        tpu.yield
      }) : () -> ()
      %barrier3A_57 = arith.constant 0 : index
      tpu.barrier barrier_id(%barrier3A_57)
      %mul3A_58 = arith.constant 640 : i32
      %mul3A_59 = arith.muli %arg1, %mul3A_58 : i32
      "tpu.region"() ({
        %run_scoped3A = tpu.sem_alloc : memref<!tpu.dma_semaphore, #tpu.memory_space<semaphore_mem>>
        %dma_start3A_68 = arith.constant 0 : i32
        %dma_start3A_69 = arith.constant 0 : i32
        %dma_start3A_70 = tpu.memref_slice %arg7[%dma_start3A_68, %dma_start3A_69, %mul3A_59] : memref<16x1x10240xf32, #tpu.memory_space<hbm>> -> memref<16x1x640xf32, #tpu.memory_space<hbm>>
        %dma_start3A_71 = arith.constant 0 : i32
        %dma_start3A_72 = arith.constant 0 : i32
        %dma_start3A_73 = tpu.memref_slice %arg7[%dma_start3A_71, %dma_start3A_72, %mul3A_59] : memref<16x1x10240xf32, #tpu.memory_space<hbm>> -> memref<16x1x640xf32, #tpu.memory_space<hbm>>
        tpu.enqueue_dma source(%dma_start3A_73 : memref<16x1x640xf32, #tpu.memory_space<hbm>>) target(%arg13 : memref<16x1x640xf32, #tpu.memory_space<vmem>>) target_semaphore(%run_scoped3A : memref<!tpu.dma_semaphore, #tpu.memory_space<semaphore_mem>>)
        %dma_wait3A_74 = arith.constant 0 : i32
        %dma_wait3A_75 = arith.constant 0 : i32
        %dma_wait3A_76 = tpu.memref_slice %arg7[%dma_wait3A_74, %dma_wait3A_75, %mul3A_59] : memref<16x1x10240xf32, #tpu.memory_space<hbm>> -> memref<16x1x640xf32, #tpu.memory_space<hbm>>
        %dma_wait3A_77 = arith.constant 0 : i32
        %dma_wait3A_78 = arith.constant 0 : i32
        %dma_wait3A_79 = tpu.memref_slice %arg7[%dma_wait3A_77, %dma_wait3A_78, %mul3A_59] : memref<16x1x10240xf32, #tpu.memory_space<hbm>> -> memref<16x1x640xf32, #tpu.memory_space<hbm>>
        tpu.wait_dma2 semaphore(%run_scoped3A : memref<!tpu.dma_semaphore, #tpu.memory_space<semaphore_mem>>) src(%dma_wait3A_79 : memref<16x1x640xf32, #tpu.memory_space<hbm>>) dst(%arg13 : memref<16x1x640xf32, #tpu.memory_space<vmem>>)
        tpu.yield
      }) : () -> ()
      %scan3A_60 = arith.constant 0 : i32
      %scan3A_61 = arith.constant 0 : i32
      %scan3A_62 = arith.constant 40 : i32
      %scan3A_63 = arith.addi %scan3A_61, %scan3A_62 : i32
      %scan3A_64 = arith.constant 1 : i32
      scf.for %scan3A_68 = %scan3A_61 to %scan3A_63 step %scan3A_64  : i32 {
        %mul3A_69 = arith.constant 16 : i32
        %mul3A_70 = arith.muli %scan3A_68, %mul3A_69 : i32
        %get3A = arith.constant 0 : i32
        %get3A_71 = arith.constant 0 : i32
        %get3A_72 = arith.index_cast %get3A : i32 to index
        %get3A_73 = arith.index_cast %get3A_71 : i32 to index
        %get3A_74 = arith.index_cast %mul3A_70 : i32 to index
        %get3A_75 = tpu.vector_load %arg13[%get3A_72, %get3A_73, %get3A_74] {strides = array<i32>} : memref<16x1x640xf32, #tpu.memory_space<vmem>>, vector<16xf32>,
        %mul3A_76 = arith.constant 16 : i32
        %mul3A_77 = arith.muli %scan3A_68, %mul3A_76 : i32
        %get3A_78 = arith.constant 1 : i32
        %get3A_79 = arith.constant 0 : i32
        %get3A_80 = arith.index_cast %get3A_78 : i32 to index
        %get3A_81 = arith.index_cast %get3A_79 : i32 to index
        %get3A_82 = arith.index_cast %mul3A_77 : i32 to index
        %get3A_83 = tpu.vector_load %arg13[%get3A_80, %get3A_81, %get3A_82] {strides = array<i32>} : memref<16x1x640xf32, #tpu.memory_space<vmem>>, vector<16xf32>,
        %add3A_84 = arith.addf %get3A_75, %get3A_83 : vector<16xf32>
        %mul3A_85 = arith.constant 16 : i32
        %mul3A_86 = arith.muli %scan3A_68, %mul3A_85 : i32
        %get3A_87 = arith.constant 2 : i32
        %get3A_88 = arith.constant 0 : i32
        %get3A_89 = arith.index_cast %get3A_87 : i32 to index
        %get3A_90 = arith.index_cast %get3A_88 : i32 to index
        %get3A_91 = arith.index_cast %mul3A_86 : i32 to index
        %get3A_92 = tpu.vector_load %arg13[%get3A_89, %get3A_90, %get3A_91] {strides = array<i32>} : memref<16x1x640xf32, #tpu.memory_space<vmem>>, vector<16xf32>,
        %add3A_93 = arith.addf %add3A_84, %get3A_92 : vector<16xf32>
        %mul3A_94 = arith.constant 16 : i32
        %mul3A_95 = arith.muli %scan3A_68, %mul3A_94 : i32
        %get3A_96 = arith.constant 3 : i32
        %get3A_97 = arith.constant 0 : i32
        %get3A_98 = arith.index_cast %get3A_96 : i32 to index
        %get3A_99 = arith.index_cast %get3A_97 : i32 to index
        %get3A_100 = arith.index_cast %mul3A_95 : i32 to index
        %get3A_101 = tpu.vector_load %arg13[%get3A_98, %get3A_99, %get3A_100] {strides = array<i32>} : memref<16x1x640xf32, #tpu.memory_space<vmem>>, vector<16xf32>,
        %add3A_102 = arith.addf %add3A_93, %get3A_101 : vector<16xf32>
        %mul3A_103 = arith.constant 16 : i32
        %mul3A_104 = arith.muli %scan3A_68, %mul3A_103 : i32
        %get3A_105 = arith.constant 4 : i32
        %get3A_106 = arith.constant 0 : i32
        %get3A_107 = arith.index_cast %get3A_105 : i32 to index
        %get3A_108 = arith.index_cast %get3A_106 : i32 to index
        %get3A_109 = arith.index_cast %mul3A_104 : i32 to index
        %get3A_110 = tpu.vector_load %arg13[%get3A_107, %get3A_108, %get3A_109] {strides = array<i32>} : memref<16x1x640xf32, #tpu.memory_space<vmem>>, vector<16xf32>,
        %add3A_111 = arith.addf %add3A_102, %get3A_110 : vector<16xf32>
        %mul3A_112 = arith.constant 16 : i32
        %mul3A_113 = arith.muli %scan3A_68, %mul3A_112 : i32
        %get3A_114 = arith.constant 5 : i32
        %get3A_115 = arith.constant 0 : i32
        %get3A_116 = arith.index_cast %get3A_114 : i32 to index
        %get3A_117 = arith.index_cast %get3A_115 : i32 to index
        %get3A_118 = arith.index_cast %mul3A_113 : i32 to index
        %get3A_119 = tpu.vector_load %arg13[%get3A_116, %get3A_117, %get3A_118] {strides = array<i32>} : memref<16x1x640xf32, #tpu.memory_space<vmem>>, vector<16xf32>,
        %add3A_120 = arith.addf %add3A_111, %get3A_119 : vector<16xf32>
        %mul3A_121 = arith.constant 16 : i32
        %mul3A_122 = arith.muli %scan3A_68, %mul3A_121 : i32
        %get3A_123 = arith.constant 6 : i32
        %get3A_124 = arith.constant 0 : i32
        %get3A_125 = arith.index_cast %get3A_123 : i32 to index
        %get3A_126 = arith.index_cast %get3A_124 : i32 to index
        %get3A_127 = arith.index_cast %mul3A_122 : i32 to index
        %get3A_128 = tpu.vector_load %arg13[%get3A_125, %get3A_126, %get3A_127] {strides = array<i32>} : memref<16x1x640xf32, #tpu.memory_space<vmem>>, vector<16xf32>,
        %add3A_129 = arith.addf %add3A_120, %get3A_128 : vector<16xf32>
        %mul3A_130 = arith.constant 16 : i32
        %mul3A_131 = arith.muli %scan3A_68, %mul3A_130 : i32
        %get3A_132 = arith.constant 7 : i32
        %get3A_133 = arith.constant 0 : i32
        %get3A_134 = arith.index_cast %get3A_132 : i32 to index
        %get3A_135 = arith.index_cast %get3A_133 : i32 to index
        %get3A_136 = arith.index_cast %mul3A_131 : i32 to index
        %get3A_137 = tpu.vector_load %arg13[%get3A_134, %get3A_135, %get3A_136] {strides = array<i32>} : memref<16x1x640xf32, #tpu.memory_space<vmem>>, vector<16xf32>,
        %add3A_138 = arith.addf %add3A_129, %get3A_137 : vector<16xf32>
        %mul3A_139 = arith.constant 16 : i32
        %mul3A_140 = arith.muli %scan3A_68, %mul3A_139 : i32
        %get3A_141 = arith.constant 8 : i32
        %get3A_142 = arith.constant 0 : i32
        %get3A_143 = arith.index_cast %get3A_141 : i32 to index
        %get3A_144 = arith.index_cast %get3A_142 : i32 to index
        %get3A_145 = arith.index_cast %mul3A_140 : i32 to index
        %get3A_146 = tpu.vector_load %arg13[%get3A_143, %get3A_144, %get3A_145] {strides = array<i32>} : memref<16x1x640xf32, #tpu.memory_space<vmem>>, vector<16xf32>,
        %add3A_147 = arith.addf %add3A_138, %get3A_146 : vector<16xf32>
        %mul3A_148 = arith.constant 16 : i32
        %mul3A_149 = arith.muli %scan3A_68, %mul3A_148 : i32
        %get3A_150 = arith.constant 9 : i32
        %get3A_151 = arith.constant 0 : i32
        %get3A_152 = arith.index_cast %get3A_150 : i32 to index
        %get3A_153 = arith.index_cast %get3A_151 : i32 to index
        %get3A_154 = arith.index_cast %mul3A_149 : i32 to index
        %get3A_155 = tpu.vector_load %arg13[%get3A_152, %get3A_153, %get3A_154] {strides = array<i32>} : memref<16x1x640xf32, #tpu.memory_space<vmem>>, vector<16xf32>,
        %add3A_156 = arith.addf %add3A_147, %get3A_155 : vector<16xf32>
        %mul3A_157 = arith.constant 16 : i32
        %mul3A_158 = arith.muli %scan3A_68, %mul3A_157 : i32
        %get3A_159 = arith.constant 10 : i32
        %get3A_160 = arith.constant 0 : i32
        %get3A_161 = arith.index_cast %get3A_159 : i32 to index
        %get3A_162 = arith.index_cast %get3A_160 : i32 to index
        %get3A_163 = arith.index_cast %mul3A_158 : i32 to index
        %get3A_164 = tpu.vector_load %arg13[%get3A_161, %get3A_162, %get3A_163] {strides = array<i32>} : memref<16x1x640xf32, #tpu.memory_space<vmem>>, vector<16xf32>,
        %add3A_165 = arith.addf %add3A_156, %get3A_164 : vector<16xf32>
        %mul3A_166 = arith.constant 16 : i32
        %mul3A_167 = arith.muli %scan3A_68, %mul3A_166 : i32
        %get3A_168 = arith.constant 11 : i32
        %get3A_169 = arith.constant 0 : i32
        %get3A_170 = arith.index_cast %get3A_168 : i32 to index
        %get3A_171 = arith.index_cast %get3A_169 : i32 to index
        %get3A_172 = arith.index_cast %mul3A_167 : i32 to index
        %get3A_173 = tpu.vector_load %arg13[%get3A_170, %get3A_171, %get3A_172] {strides = array<i32>} : memref<16x1x640xf32, #tpu.memory_space<vmem>>, vector<16xf32>,
        %add3A_174 = arith.addf %add3A_165, %get3A_173 : vector<16xf32>
        %mul3A_175 = arith.constant 16 : i32
        %mul3A_176 = arith.muli %scan3A_68, %mul3A_175 : i32
        %get3A_177 = arith.constant 12 : i32
        %get3A_178 = arith.constant 0 : i32
        %get3A_179 = arith.index_cast %get3A_177 : i32 to index
        %get3A_180 = arith.index_cast %get3A_178 : i32 to index
        %get3A_181 = arith.index_cast %mul3A_176 : i32 to index
        %get3A_182 = tpu.vector_load %arg13[%get3A_179, %get3A_180, %get3A_181] {strides = array<i32>} : memref<16x1x640xf32, #tpu.memory_space<vmem>>, vector<16xf32>,
        %add3A_183 = arith.addf %add3A_174, %get3A_182 : vector<16xf32>
        %mul3A_184 = arith.constant 16 : i32
        %mul3A_185 = arith.muli %scan3A_68, %mul3A_184 : i32
        %get3A_186 = arith.constant 13 : i32
        %get3A_187 = arith.constant 0 : i32
        %get3A_188 = arith.index_cast %get3A_186 : i32 to index
        %get3A_189 = arith.index_cast %get3A_187 : i32 to index
        %get3A_190 = arith.index_cast %mul3A_185 : i32 to index
        %get3A_191 = tpu.vector_load %arg13[%get3A_188, %get3A_189, %get3A_190] {strides = array<i32>} : memref<16x1x640xf32, #tpu.memory_space<vmem>>, vector<16xf32>,
        %add3A_192 = arith.addf %add3A_183, %get3A_191 : vector<16xf32>
        %mul3A_193 = arith.constant 16 : i32
        %mul3A_194 = arith.muli %scan3A_68, %mul3A_193 : i32
        %get3A_195 = arith.constant 14 : i32
        %get3A_196 = arith.constant 0 : i32
        %get3A_197 = arith.index_cast %get3A_195 : i32 to index
        %get3A_198 = arith.index_cast %get3A_196 : i32 to index
        %get3A_199 = arith.index_cast %mul3A_194 : i32 to index
        %get3A_200 = tpu.vector_load %arg13[%get3A_197, %get3A_198, %get3A_199] {strides = array<i32>} : memref<16x1x640xf32, #tpu.memory_space<vmem>>, vector<16xf32>,
        %add3A_201 = arith.addf %add3A_192, %get3A_200 : vector<16xf32>
        %mul3A_202 = arith.constant 16 : i32
        %mul3A_203 = arith.muli %scan3A_68, %mul3A_202 : i32
        %get3A_204 = arith.constant 15 : i32
        %get3A_205 = arith.constant 0 : i32
        %get3A_206 = arith.index_cast %get3A_204 : i32 to index
        %get3A_207 = arith.index_cast %get3A_205 : i32 to index
        %get3A_208 = arith.index_cast %mul3A_203 : i32 to index
        %get3A_209 = tpu.vector_load %arg13[%get3A_206, %get3A_207, %get3A_208] {strides = array<i32>} : memref<16x1x640xf32, #tpu.memory_space<vmem>>, vector<16xf32>,
        %add3A_210 = arith.addf %add3A_201, %get3A_209 : vector<16xf32>
        %mul3A_211 = arith.constant 16 : i32
        %mul3A_212 = arith.muli %scan3A_68, %mul3A_211 : i32
        %swap3A = arith.index_cast %mul3A_212 : i32 to index
        %swap3A_213 = tpu.vector_load %arg14[%swap3A] {strides = array<i32>} : memref<640xf32, #tpu.memory_space<vmem>>, vector<16xf32>,
        tpu.vector_store %arg14[%swap3A], %add3A_210 {strides = array<i32>} : memref<640xf32, #tpu.memory_space<vmem>>, vector<16xf32>,
      }
      %scan3A_65 = arith.constant 40 : i32
      %mul3A_66 = arith.constant 640 : i32
      %mul3A_67 = arith.muli %arg1, %mul3A_66 : i32
      "tpu.region"() ({
        %run_scoped3A = tpu.sem_alloc : memref<!tpu.dma_semaphore, #tpu.memory_space<semaphore_mem>>
        %dma_start3A_68 = tpu.memref_slice %arg6[%mul3A_67] : memref<10240xf32, #tpu.memory_space<hbm>> -> memref<640xf32, #tpu.memory_space<hbm>>
        %dma_start3A_69 = tpu.memref_slice %arg6[%mul3A_67] : memref<10240xf32, #tpu.memory_space<hbm>> -> memref<640xf32, #tpu.memory_space<hbm>>
        tpu.enqueue_dma source(%arg14 : memref<640xf32, #tpu.memory_space<vmem>>) target(%dma_start3A_69 : memref<640xf32, #tpu.memory_space<hbm>>) target_semaphore(%run_scoped3A : memref<!tpu.dma_semaphore, #tpu.memory_space<semaphore_mem>>)
        %dma_wait3A_70 = tpu.memref_slice %arg6[%mul3A_67] : memref<10240xf32, #tpu.memory_space<hbm>> -> memref<640xf32, #tpu.memory_space<hbm>>
        %dma_wait3A_71 = tpu.memref_slice %arg6[%mul3A_67] : memref<10240xf32, #tpu.memory_space<hbm>> -> memref<640xf32, #tpu.memory_space<hbm>>
        tpu.wait_dma2 semaphore(%run_scoped3A : memref<!tpu.dma_semaphore, #tpu.memory_space<semaphore_mem>>) src(%arg14 : memref<640xf32, #tpu.memory_space<vmem>>) dst(%dma_wait3A_71 : memref<640xf32, #tpu.memory_space<hbm>>)
        tpu.yield
      }) : () -> ()
    } else {
    }
    return
  }
}

module attributes {stable_mosaic.version = 14 : i64} {
  func.func @_msg_body(%arg0: i32, %arg1: memref<8000x16xbf16, #tpu.memory_space<vmem>>, %arg2: memref<8000x128xi32, #tpu.memory_space<vmem>>, %arg3: memref<16x256xbf16, #tpu.memory_space<vmem>>, %arg4: memref<1x256xf32, #tpu.memory_space<vmem>>, %arg5: memref<256x256xbf16, #tpu.memory_space<vmem>>, %arg6: memref<1x256xf32, #tpu.memory_space<vmem>>, %arg7: memref<2x8000x128xf32, #tpu.memory_space<vmem>>) attributes {dimension_semantics = [#tpu.dimension_semantics<arbitrary>], iteration_bounds = array<i64: 20>, scalar_prefetch = 0 : i64, scratch_operands = 0 : i64, tpu.core_type = #tpu.core_type<tc>, window_params = [{transform_indices = @transform_0, window_bounds = array<i64: 8000, 16>}, {transform_indices = @transform_1, window_bounds = array<i64: 8000, 128>}, {pipeline_mode = #tpu.pipeline_mode<synchronous>, transform_indices = @transform_2, window_bounds = array<i64: 16, 256>}, {pipeline_mode = #tpu.pipeline_mode<synchronous>, transform_indices = @transform_3, window_bounds = array<i64: 1, 256>}, {pipeline_mode = #tpu.pipeline_mode<synchronous>, transform_indices = @transform_4, window_bounds = array<i64: 256, 256>}, {pipeline_mode = #tpu.pipeline_mode<synchronous>, transform_indices = @transform_5, window_bounds = array<i64: 1, 256>}, {transform_indices = @transform_6, window_bounds = array<i64: 2, 8000, 128>}]} {
    %get3A = arith.constant 0 : index
    %get3A_0 = arith.constant 0 : index
    %get3A_1 = vector.load %arg1[%get3A, %get3A_0] : memref<8000x16xbf16, #tpu.memory_space<vmem>>, vector<8000x16xbf16>
    %get3A_2 = arith.constant 0 : index
    %get3A_3 = arith.constant 0 : index
    %get3A_4 = vector.load %arg3[%get3A_2, %get3A_3] : memref<16x256xbf16, #tpu.memory_space<vmem>>, vector<16x256xbf16>
    %dot_general3A = arith.constant dense<0.000000e+00> : vector<8000x256xf32>
    %dot_general3A_5 = tpu.matmul %get3A_1, %get3A_4, %dot_general3A {dimension_numbers = #tpu.dot_dimension_numbers<[1], [0], [0], [1], [0, 0, 1, 1], [], []>, transpose_lhs_hint = false} : vector<8000x16xbf16>, vector<16x256xbf16>, vector<8000x256xf32> -> vector<8000x256xf32>
    %get3A_6 = arith.constant 0 : index
    %get3A_7 = arith.constant 0 : index
    %get3A_8 = vector.load %arg4[%get3A_6, %get3A_7] : memref<1x256xf32, #tpu.memory_space<vmem>>, vector<1x256xf32>
    %add3A = vector.broadcast %get3A_8 : vector<1x256xf32> to vector<8000x256xf32>
    %add3A_9 = arith.addf %dot_general3A_5, %add3A : vector<8000x256xf32>
    %max3A = arith.constant 0.000000e+00 : f32
    %max3A_10 = vector.broadcast %max3A : f32 to vector<8000x256xf32>
    %max3A_11 = arith.maximumf %add3A_9, %max3A_10 : vector<8000x256xf32>
    %convert_element_type3A = arith.truncf %max3A_11 : vector<8000x256xf32> to vector<8000x256xbf16>
    %get3A_12 = arith.constant 0 : index
    %get3A_13 = arith.constant 0 : index
    %get3A_14 = vector.load %arg5[%get3A_12, %get3A_13] : memref<256x256xbf16, #tpu.memory_space<vmem>>, vector<256x256xbf16>
    %dot_general3A_15 = arith.constant dense<0.000000e+00> : vector<8000x256xf32>
    %dot_general3A_16 = tpu.matmul %convert_element_type3A, %get3A_14, %dot_general3A_15 {dimension_numbers = #tpu.dot_dimension_numbers<[1], [0], [0], [1], [0, 0, 1, 1], [], []>, transpose_lhs_hint = false} : vector<8000x256xbf16>, vector<256x256xbf16>, vector<8000x256xf32> -> vector<8000x256xf32>
    %get3A_17 = arith.constant 0 : index
    %get3A_18 = arith.constant 0 : index
    %get3A_19 = vector.load %arg6[%get3A_17, %get3A_18] : memref<1x256xf32, #tpu.memory_space<vmem>>, vector<1x256xf32>
    %add3A_20 = vector.broadcast %get3A_19 : vector<1x256xf32> to vector<8000x256xf32>
    %add3A_21 = arith.addf %dot_general3A_16, %add3A_20 : vector<8000x256xf32>
    %get3A_22 = arith.constant 0 : index
    %get3A_23 = arith.constant 0 : index
    %get3A_24 = vector.load %arg2[%get3A_22, %get3A_23] : memref<8000x128xi32, #tpu.memory_space<vmem>>, vector<8000x128xi32>
    %shift_left3A = arith.constant 16 : i32
    %shift_left3A_25 = vector.broadcast %shift_left3A : i32 to vector<8000x128xi32>
    %shift_left3A_26 = arith.shli %get3A_24, %shift_left3A_25 : vector<8000x128xi32>
    %bitcast_convert_type3A = tpu.bitcast %shift_left3A_26 : vector<8000x128xi32> -> vector<8000x128xf32>
    %and3A = arith.constant -65536 : i32
    %and3A_27 = vector.broadcast %and3A : i32 to vector<8000x128xi32>
    %and3A_28 = arith.andi %get3A_24, %and3A_27 : vector<8000x128xi32>
    %bitcast_convert_type3A_29 = tpu.bitcast %and3A_28 : vector<8000x128xi32> -> vector<8000x128xf32>
    %slice3A = vector.extract_strided_slice %add3A_21 {offsets = [0, 0], sizes = [8000, 128], strides = [1, 1]} : vector<8000x256xf32> to vector<8000x128xf32>
    %mul3A = arith.mulf %slice3A, %bitcast_convert_type3A : vector<8000x128xf32>
    %swap3A = arith.constant 0 : index
    %swap3A_30 = arith.constant 0 : index
    %swap3A_31 = arith.constant 0 : index
    %swap3A_32 = vector.load %arg7[%swap3A, %swap3A_30, %swap3A_31] : memref<2x8000x128xf32, #tpu.memory_space<vmem>>, vector<1x8000x128xf32>
    %swap3A_33 = vector.shape_cast %swap3A_32 : vector<1x8000x128xf32> to vector<8000x128xf32>
    %swap3A_34 = vector.shape_cast %mul3A : vector<8000x128xf32> to vector<1x8000x128xf32>
    tpu.vector_store %arg7[%swap3A, %swap3A_30, %swap3A_31], %swap3A_34 {strides = array<i32>} : memref<2x8000x128xf32, #tpu.memory_space<vmem>>, vector<1x8000x128xf32>,
    %slice3A_35 = vector.extract_strided_slice %add3A_21 {offsets = [0, 128], sizes = [8000, 128], strides = [1, 1]} : vector<8000x256xf32> to vector<8000x128xf32>
    %mul3A_36 = arith.mulf %slice3A_35, %bitcast_convert_type3A_29 : vector<8000x128xf32>
    %swap3A_37 = arith.constant 1 : index
    %swap3A_38 = arith.constant 0 : index
    %swap3A_39 = arith.constant 0 : index
    %swap3A_40 = vector.load %arg7[%swap3A_37, %swap3A_38, %swap3A_39] : memref<2x8000x128xf32, #tpu.memory_space<vmem>>, vector<1x8000x128xf32>
    %swap3A_41 = vector.shape_cast %swap3A_40 : vector<1x8000x128xf32> to vector<8000x128xf32>
    %swap3A_42 = vector.shape_cast %mul3A_36 : vector<8000x128xf32> to vector<1x8000x128xf32>
    tpu.vector_store %arg7[%swap3A_37, %swap3A_38, %swap3A_39], %swap3A_42 {strides = array<i32>} : memref<2x8000x128xf32, #tpu.memory_space<vmem>>, vector<1x8000x128xf32>,
    return
  }
  func.func @transform_0(%arg0: i32) -> (i32, i32) {
    %add3A = arith.constant 0 : i32
    %add3A_0 = arith.addi %arg0, %add3A : i32
    %c0_i32 = arith.constant 0 : i32
    %c0_i32_1 = arith.constant 0 : i32
    return %add3A_0, %c0_i32 : i32, i32
  }
  func.func @transform_1(%arg0: i32) -> (i32, i32) {
    %c0_i32 = arith.constant 0 : i32
    %c0_i32_0 = arith.constant 0 : i32
    return %arg0, %c0_i32 : i32, i32
  }
  func.func @transform_2(%arg0: i32) -> (i32, i32) {
    %c0_i32 = arith.constant 0 : i32
    %c0_i32_0 = arith.constant 0 : i32
    %c0_i32_1 = arith.constant 0 : i32
    return %c0_i32, %c0_i32_0 : i32, i32
  }
  func.func @transform_3(%arg0: i32) -> (i32, i32) {
    %c0_i32 = arith.constant 0 : i32
    %c0_i32_0 = arith.constant 0 : i32
    %c0_i32_1 = arith.constant 0 : i32
    return %c0_i32, %c0_i32_0 : i32, i32
  }
  func.func @transform_4(%arg0: i32) -> (i32, i32) {
    %c0_i32 = arith.constant 0 : i32
    %c0_i32_0 = arith.constant 0 : i32
    %c0_i32_1 = arith.constant 0 : i32
    return %c0_i32, %c0_i32_0 : i32, i32
  }
  func.func @transform_5(%arg0: i32) -> (i32, i32) {
    %c0_i32 = arith.constant 0 : i32
    %c0_i32_0 = arith.constant 0 : i32
    %c0_i32_1 = arith.constant 0 : i32
    return %c0_i32, %c0_i32_0 : i32, i32
  }
  func.func @transform_6(%arg0: i32) -> (i32, i32, i32) {
    %c0_i32 = arith.constant 0 : i32
    %c0_i32_0 = arith.constant 0 : i32
    %c0_i32_1 = arith.constant 0 : i32
    return %c0_i32, %arg0, %c0_i32_0 : i32, i32, i32
  }
}

module attributes {stable_mosaic.version = 14 : i64} {
  func.func @_final_body(%arg0: i32, %arg1: memref<1000x256xf32, #tpu.memory_space<vmem>>, %arg2: memref<2x1000x128xf32, #tpu.memory_space<vmem>>, %arg3: memref<1000x1xf32, #tpu.memory_space<vmem>>, %arg4: memref<256x256xf32, #tpu.memory_space<vmem>>, %arg5: memref<256x256xf32, #tpu.memory_space<vmem>>, %arg6: memref<1x256xf32, #tpu.memory_space<vmem>>, %arg7: memref<256x256xf32, #tpu.memory_space<vmem>>, %arg8: memref<1x256xf32, #tpu.memory_space<vmem>>, %arg9: memref<1x256xf32, #tpu.memory_space<vmem>>, %arg10: memref<1x256xf32, #tpu.memory_space<vmem>>, %arg11: memref<1000x256xf32, #tpu.memory_space<vmem>>) attributes {dimension_semantics = [#tpu.dimension_semantics<arbitrary>], iteration_bounds = array<i64: 10>, scalar_prefetch = 0 : i64, scratch_operands = 0 : i64, tpu.core_type = #tpu.core_type<tc>, window_params = [{transform_indices = @transform_0, window_bounds = array<i64: 1000, 256>}, {transform_indices = @transform_1, window_bounds = array<i64: 2, 1000, 128>}, {transform_indices = @transform_2, window_bounds = array<i64: 1000, 1>}, {pipeline_mode = #tpu.pipeline_mode<synchronous>, transform_indices = @transform_3, window_bounds = array<i64: 256, 256>}, {pipeline_mode = #tpu.pipeline_mode<synchronous>, transform_indices = @transform_4, window_bounds = array<i64: 256, 256>}, {pipeline_mode = #tpu.pipeline_mode<synchronous>, transform_indices = @transform_5, window_bounds = array<i64: 1, 256>}, {pipeline_mode = #tpu.pipeline_mode<synchronous>, transform_indices = @transform_6, window_bounds = array<i64: 256, 256>}, {pipeline_mode = #tpu.pipeline_mode<synchronous>, transform_indices = @transform_7, window_bounds = array<i64: 1, 256>}, {pipeline_mode = #tpu.pipeline_mode<synchronous>, transform_indices = @transform_8, window_bounds = array<i64: 1, 256>}, {pipeline_mode = #tpu.pipeline_mode<synchronous>, transform_indices = @transform_9, window_bounds = array<i64: 1, 256>}, {transform_indices = @transform_10, window_bounds = array<i64: 1000, 256>}]} {
    %get3A = arith.constant 0 : index
    %get3A_0 = arith.constant 0 : index
    %get3A_1 = vector.load %arg1[%get3A, %get3A_0] : memref<1000x256xf32, #tpu.memory_space<vmem>>, vector<1000x256xf32>
    %get3A_2 = arith.constant 0 : index
    %get3A_3 = arith.constant 0 : index
    %get3A_4 = vector.load %arg3[%get3A_2, %get3A_3] : memref<1000x1xf32, #tpu.memory_space<vmem>>, vector<1000x1xf32>
    %max3A = arith.constant 1.000000e+00 : f32
    %max3A_5 = vector.broadcast %max3A : f32 to vector<1000x1xf32>
    %max3A_6 = arith.maximumf %get3A_4, %max3A_5 : vector<1000x1xf32>
    %get3A_7 = arith.constant 0 : index
    %get3A_8 = arith.constant 0 : index
    %get3A_9 = arith.constant 0 : index
    %get3A_10 = vector.load %arg2[%get3A_7, %get3A_8, %get3A_9] : memref<2x1000x128xf32, #tpu.memory_space<vmem>>, vector<1x1000x128xf32>
    %get3A_11 = vector.shape_cast %get3A_10 : vector<1x1000x128xf32> to vector<1000x128xf32>
    %get3A_12 = arith.constant 1 : index
    %get3A_13 = arith.constant 0 : index
    %get3A_14 = arith.constant 0 : index
    %get3A_15 = vector.load %arg2[%get3A_12, %get3A_13, %get3A_14] : memref<2x1000x128xf32, #tpu.memory_space<vmem>>, vector<1x1000x128xf32>
    %get3A_16 = vector.shape_cast %get3A_15 : vector<1x1000x128xf32> to vector<1000x128xf32>
    %concatenate3A = tpu.concatenate %get3A_11, %get3A_16 in 1 : vector<1000x128xf32>, vector<1000x128xf32> -> vector<1000x256xf32>
    %div3A = vector.broadcast %max3A_6 : vector<1000x1xf32> to vector<1000x256xf32>
    %div3A_17 = arith.divf %concatenate3A, %div3A : vector<1000x256xf32>
    %convert_element_type3A = arith.truncf %get3A_1 : vector<1000x256xf32> to vector<1000x256xbf16>
    %get3A_18 = arith.constant 0 : index
    %get3A_19 = arith.constant 0 : index
    %get3A_20 = vector.load %arg4[%get3A_18, %get3A_19] : memref<256x256xf32, #tpu.memory_space<vmem>>, vector<256x256xf32>
    %convert_element_type3A_21 = arith.truncf %get3A_20 : vector<256x256xf32> to vector<256x256xbf16>
    %dot_general3A = arith.constant dense<0.000000e+00> : vector<1000x256xf32>
    %dot_general3A_22 = tpu.matmul %convert_element_type3A, %convert_element_type3A_21, %dot_general3A {dimension_numbers = #tpu.dot_dimension_numbers<[1], [0], [0], [1], [0, 0, 1, 1], [], []>, transpose_lhs_hint = false} : vector<1000x256xbf16>, vector<256x256xbf16>, vector<1000x256xf32> -> vector<1000x256xf32>
    %convert_element_type3A_23 = arith.truncf %div3A_17 : vector<1000x256xf32> to vector<1000x256xbf16>
    %get3A_24 = arith.constant 0 : index
    %get3A_25 = arith.constant 0 : index
    %get3A_26 = vector.load %arg5[%get3A_24, %get3A_25] : memref<256x256xf32, #tpu.memory_space<vmem>>, vector<256x256xf32>
    %convert_element_type3A_27 = arith.truncf %get3A_26 : vector<256x256xf32> to vector<256x256xbf16>
    %dot_general3A_28 = arith.constant dense<0.000000e+00> : vector<1000x256xf32>
    %dot_general3A_29 = tpu.matmul %convert_element_type3A_23, %convert_element_type3A_27, %dot_general3A_28 {dimension_numbers = #tpu.dot_dimension_numbers<[1], [0], [0], [1], [0, 0, 1, 1], [], []>, transpose_lhs_hint = false} : vector<1000x256xbf16>, vector<256x256xbf16>, vector<1000x256xf32> -> vector<1000x256xf32>
    %add3A = arith.addf %dot_general3A_22, %dot_general3A_29 : vector<1000x256xf32>
    %get3A_30 = arith.constant 0 : index
    %get3A_31 = arith.constant 0 : index
    %get3A_32 = vector.load %arg6[%get3A_30, %get3A_31] : memref<1x256xf32, #tpu.memory_space<vmem>>, vector<1x256xf32>
    %add3A_33 = vector.broadcast %get3A_32 : vector<1x256xf32> to vector<1000x256xf32>
    %add3A_34 = arith.addf %add3A, %add3A_33 : vector<1000x256xf32>
    %max3A_35 = arith.constant 0.000000e+00 : f32
    %max3A_36 = vector.broadcast %max3A_35 : f32 to vector<1000x256xf32>
    %max3A_37 = arith.maximumf %add3A_34, %max3A_36 : vector<1000x256xf32>
    %convert_element_type3A_38 = arith.truncf %max3A_37 : vector<1000x256xf32> to vector<1000x256xbf16>
    %get3A_39 = arith.constant 0 : index
    %get3A_40 = arith.constant 0 : index
    %get3A_41 = vector.load %arg7[%get3A_39, %get3A_40] : memref<256x256xf32, #tpu.memory_space<vmem>>, vector<256x256xf32>
    %convert_element_type3A_42 = arith.truncf %get3A_41 : vector<256x256xf32> to vector<256x256xbf16>
    %dot_general3A_43 = arith.constant dense<0.000000e+00> : vector<1000x256xf32>
    %dot_general3A_44 = tpu.matmul %convert_element_type3A_38, %convert_element_type3A_42, %dot_general3A_43 {dimension_numbers = #tpu.dot_dimension_numbers<[1], [0], [0], [1], [0, 0, 1, 1], [], []>, transpose_lhs_hint = false} : vector<1000x256xbf16>, vector<256x256xbf16>, vector<1000x256xf32> -> vector<1000x256xf32>
    %get3A_45 = arith.constant 0 : index
    %get3A_46 = arith.constant 0 : index
    %get3A_47 = vector.load %arg8[%get3A_45, %get3A_46] : memref<1x256xf32, #tpu.memory_space<vmem>>, vector<1x256xf32>
    %add3A_48 = vector.broadcast %get3A_47 : vector<1x256xf32> to vector<1000x256xf32>
    %add3A_49 = arith.addf %dot_general3A_44, %add3A_48 : vector<1000x256xf32>
    %add3A_50 = arith.addf %get3A_1, %add3A_49 : vector<1000x256xf32>
    %reduce_sum3A = arith.constant dense<0.000000e+00> : vector<1000xf32>
    %reduce_sum3A_51 = vector.multi_reduction <add>, %add3A_50, %reduce_sum3A [1] : vector<1000x256xf32> to vector<1000xf32>
    %broadcast_in_dim3A = vector.shape_cast %reduce_sum3A_51 : vector<1000xf32> to vector<1000x1xf32>
    %div3A_52 = arith.constant 2.560000e+02 : f32
    %div3A_53 = vector.broadcast %div3A_52 : f32 to vector<1000x1xf32>
    %div3A_54 = arith.divf %broadcast_in_dim3A, %div3A_53 : vector<1000x1xf32>
    %sub3A = vector.broadcast %div3A_54 : vector<1000x1xf32> to vector<1000x256xf32>
    %sub3A_55 = arith.subf %add3A_50, %sub3A : vector<1000x256xf32>
    %mul3A = arith.mulf %sub3A_55, %sub3A_55 : vector<1000x256xf32>
    %reduce_sum3A_56 = arith.constant dense<0.000000e+00> : vector<1000xf32>
    %reduce_sum3A_57 = vector.multi_reduction <add>, %mul3A, %reduce_sum3A_56 [1] : vector<1000x256xf32> to vector<1000xf32>
    %broadcast_in_dim3A_58 = vector.shape_cast %reduce_sum3A_57 : vector<1000xf32> to vector<1000x1xf32>
    %div3A_59 = arith.constant 2.560000e+02 : f32
    %div3A_60 = vector.broadcast %div3A_59 : f32 to vector<1000x1xf32>
    %div3A_61 = arith.divf %broadcast_in_dim3A_58, %div3A_60 : vector<1000x1xf32>
    %add3A_62 = arith.constant 9.99999974E-6 : f32
    %add3A_63 = vector.broadcast %add3A_62 : f32 to vector<1000x1xf32>
    %add3A_64 = arith.addf %div3A_61, %add3A_63 : vector<1000x1xf32>
    %rsqrt3A = math.rsqrt %add3A_64 : vector<1000x1xf32>
    %mul3A_65 = vector.broadcast %rsqrt3A : vector<1000x1xf32> to vector<1000x256xf32>
    %mul3A_66 = arith.mulf %sub3A_55, %mul3A_65 : vector<1000x256xf32>
    %get3A_67 = arith.constant 0 : index
    %get3A_68 = arith.constant 0 : index
    %get3A_69 = vector.load %arg9[%get3A_67, %get3A_68] : memref<1x256xf32, #tpu.memory_space<vmem>>, vector<1x256xf32>
    %mul3A_70 = vector.broadcast %get3A_69 : vector<1x256xf32> to vector<1000x256xf32>
    %mul3A_71 = arith.mulf %mul3A_66, %mul3A_70 : vector<1000x256xf32>
    %get3A_72 = arith.constant 0 : index
    %get3A_73 = arith.constant 0 : index
    %get3A_74 = vector.load %arg10[%get3A_72, %get3A_73] : memref<1x256xf32, #tpu.memory_space<vmem>>, vector<1x256xf32>
    %add3A_75 = vector.broadcast %get3A_74 : vector<1x256xf32> to vector<1000x256xf32>
    %add3A_76 = arith.addf %mul3A_71, %add3A_75 : vector<1000x256xf32>
    %swap3A = arith.constant 0 : index
    %swap3A_77 = arith.constant 0 : index
    %swap3A_78 = vector.load %arg11[%swap3A, %swap3A_77] : memref<1000x256xf32, #tpu.memory_space<vmem>>, vector<1000x256xf32>
    tpu.vector_store %arg11[%swap3A, %swap3A_77], %add3A_76 {strides = array<i32>} : memref<1000x256xf32, #tpu.memory_space<vmem>>, vector<1000x256xf32>,
    return
  }
  func.func @transform_0(%arg0: i32) -> (i32, i32) {
    %c0_i32 = arith.constant 0 : i32
    %c0_i32_0 = arith.constant 0 : i32
    return %arg0, %c0_i32 : i32, i32
  }
  func.func @transform_1(%arg0: i32) -> (i32, i32, i32) {
    %c0_i32 = arith.constant 0 : i32
    %c0_i32_0 = arith.constant 0 : i32
    %c0_i32_1 = arith.constant 0 : i32
    return %c0_i32, %arg0, %c0_i32_0 : i32, i32, i32
  }
  func.func @transform_2(%arg0: i32) -> (i32, i32) {
    %c0_i32 = arith.constant 0 : i32
    %c0_i32_0 = arith.constant 0 : i32
    return %arg0, %c0_i32 : i32, i32
  }
  func.func @transform_3(%arg0: i32) -> (i32, i32) {
    %c0_i32 = arith.constant 0 : i32
    %c0_i32_0 = arith.constant 0 : i32
    %c0_i32_1 = arith.constant 0 : i32
    return %c0_i32, %c0_i32_0 : i32, i32
  }
  func.func @transform_4(%arg0: i32) -> (i32, i32) {
    %c0_i32 = arith.constant 0 : i32
    %c0_i32_0 = arith.constant 0 : i32
    %c0_i32_1 = arith.constant 0 : i32
    return %c0_i32, %c0_i32_0 : i32, i32
  }
  func.func @transform_5(%arg0: i32) -> (i32, i32) {
    %c0_i32 = arith.constant 0 : i32
    %c0_i32_0 = arith.constant 0 : i32
    %c0_i32_1 = arith.constant 0 : i32
    return %c0_i32, %c0_i32_0 : i32, i32
  }
  func.func @transform_6(%arg0: i32) -> (i32, i32) {
    %c0_i32 = arith.constant 0 : i32
    %c0_i32_0 = arith.constant 0 : i32
    %c0_i32_1 = arith.constant 0 : i32
    return %c0_i32, %c0_i32_0 : i32, i32
  }
  func.func @transform_7(%arg0: i32) -> (i32, i32) {
    %c0_i32 = arith.constant 0 : i32
    %c0_i32_0 = arith.constant 0 : i32
    %c0_i32_1 = arith.constant 0 : i32
    return %c0_i32, %c0_i32_0 : i32, i32
  }
  func.func @transform_8(%arg0: i32) -> (i32, i32) {
    %c0_i32 = arith.constant 0 : i32
    %c0_i32_0 = arith.constant 0 : i32
    %c0_i32_1 = arith.constant 0 : i32
    return %c0_i32, %c0_i32_0 : i32, i32
  }
  func.func @transform_9(%arg0: i32) -> (i32, i32) {
    %c0_i32 = arith.constant 0 : i32
    %c0_i32_0 = arith.constant 0 : i32
    %c0_i32_1 = arith.constant 0 : i32
    return %c0_i32, %c0_i32_0 : i32, i32
  }
  func.func @transform_10(%arg0: i32) -> (i32, i32) {
    %c0_i32 = arith.constant 0 : i32
    %c0_i32_0 = arith.constant 0 : i32
    return %arg0, %c0_i32 : i32, i32
  }
}

</mosaic_0001>

<sc_bundles>
// kernel: kernel.6.cloned.1.call-start
scs
__scs_entry_jumppad:
0x0: {  	(pc) =	sbr.rel $0x88, $3  }
0x1: {  	(tag) =	ssettag $0x0;
	lr =	simm.s32 $0x1  }
0x2: {  	[smem:$0x3F94] =	sst lr;
	_ =	strace $0xD0000000  }
0x3: {  	_ = 	snop  }
0x4: {  	_ = 	snop  }
0x5: {  	_ = 	snop  }
0x6: {  	_ = 	snop  }
0x7: {  	_ = 	snop  }
__scs_overlays_trampoline_lowered:
0x8: {  	[smem:$0x3FA3] =	sst s0  }
0x9: {  	[smem:$0x3FA4] =	sst s1  }
0xa: {  	[smem:$0x3FA5] =	sst s2  }
0xb: {  	[smem:$0x3FA6] =	sst s3  }
0xc: {  	[smem:$0x3FA7] =	sst s4  }
0xd: {  	[smem:$0x3FA8] =	sst s5  }
0xe: {  	[smem:$0x3FA9] =	sst s6  }
0xf: {  	[smem:$0x3FAA] =	sst s7  }
0x10: {  	[smem:$0x3FAB] =	sst s8  }
0x11: {  	[smem:$0x3FAC] =	sst s9;
	s0 =	simm.s32 @!p0 $0x0  }
0x12: {  	s1 =	sld [smem:$0x3F92];
	s0 =	simm.s32 @p0 $0x1  }
0x13: {  	[smem:$0x3FAD] =	sst s0;
	s0 =	simm.s32 @!p1 $0x0  }
0x14: {  	s2 =	sld [smem:$0x3F91];
	s0 =	simm.s32 @p1 $0x1  }
0x15: {  	[smem:$0x3FAE] =	sst s0;
	s0 =	simm.s32 @!p2 $0x0  }
0x16: {  	s3 =	sld [smem:$0x3FDB];
	s0 =	simm.s32 @p2 $0x1  }
0x17: {  	s4 =	simm.s32 $0x1BF5;
	[smem:$0x3FB0] =	sst s0  }
0x18: {  	s0 =	sld [smem:$0x3F93];
	_ =	swait.ge [sflag:s4], $0x0  }
0x19: {  	s7 =	sld [smem:$0x3F94]  }
0x1a: {  	s8 =	sadd.s32 $0xFFFFE003, lr  }
0x1b: {  	s9 =	sadd.s32 $0xFFFFFEF7, lr;
	s5 =	simm.s32 $0xFFFFFFFF;
	p2 =	slt.u32 s8, $0xFFFFF086  }
0x1c: {  	p1 =	slt.u32 s9, $0xF7A;
	s5 =	simm.s32 @!p2 $0x0  }
0x1d: {  	s5 =	simm.s32 @p1 $0x1;
	p0 =	seq.s32 s7, s2  }
0x1e: {  	s7 =	smul.u32 @!p0 $0xF7A, s2;
	p2 =	seq.s32 @!p0 s5, $0x0  }
0x1f: {  	s9 =	smul.u32 $0xF7A, s1;
	s8 =	simm.s32 @!p0 $0x1BF5;
	p2 =	por !p2, p0  }
0x20: {  	[sflag:s8] =	ssyncset.s32 @!p0 $0xFFFFF086;
	s6 =	sadd.s32 @!p0 s3, s7;
	s7 =	simm.s32 @!p0 $0x108  }
0x21: {  	s3 =	sadd.s32 s3, s9;
	s6 =	sadd.s32 @!p0 $0x88, s6;
	s7 =	simm.s32 @p2 $0x1082  }
0x22: {  	[simem:s7], [sflag:s8] =	dma.local @!p0 [hbm:s6], $0xF7A  }
0x23: {  	s9 =	sor.u32 $0xD0000000, s2;
	s6 =	simm.s32 $0x108;
	_ =	swait.ge @!p0 [sflag:s8], $0x0  }
0x24: {  	s3 =	sadd.s32 $0x88, s3;
	s6 =	simm.s32 @!p1 $0x1082;
	[sflag:s4] =	ssyncset.s32 $0xFFFFF086  }
0x25: {  	[simem:s6], [sflag:s4] =	dma.local [hbm:s3], $0xF7A  }
0x26: {  	[smem:$0x3F94] =	sst s1;
	(tag) =	ssettag s2;
	_ =	strace s9  }
0x27: {  	s1 =	sld [smem:$0x3FA4]  }
0x28: {  	s2 =	sld [smem:$0x3FA5]  }
0x29: {  	s4 =	sld [smem:$0x3FA7]  }
0x2a: {  	p0 =	seq.s32 s5, $0x0;
	s5 =	sld [smem:$0x3FA8]  }
0x2b: {  	s6 =	sld [smem:$0x3FA9]  }
0x2c: {  	s7 =	sld [smem:$0x3FAA]  }
0x2d: {  	s3 =	simm.s32 $0x108;
	s8 =	sld [smem:$0x3FAB]  }
0x2e: {  	s3 =	simm.s32 @!p0 $0x1082;
	s9 =	sld [smem:$0x3FAC]  }
0x2f: {  	lr =	sadd.s32 s0, s3;
	s0 =	sld [smem:$0x3FA3]  }
0x30: {  	s3 =	sld [smem:$0x3FA6]  }
0x31: {  	[smem:$0x3FAF] =	sst s10  }
0x32: {  	s10 =	sld [smem:$0x3FAD];
	_ =	sdelay $0x3  }
0x33: {  	p0 =	seq.s32 s10, $0x1;
	s10 =	sld [smem:$0x3FAF];
	_ =	sdelay $0x3  }
0x34: {  	[smem:$0x3FAF] =	sst s10  }
0x35: {  	s10 =	sld [smem:$0x3FAE];
	_ =	sdelay $0x3  }
0x36: {  	p1 =	seq.s32 s10, $0x1;
	s10 =	sld [smem:$0x3FAF];
	_ =	sdelay $0x3  }
0x37: {  	[smem:$0x3FAF] =	sst s10  }
0x38: {  	s10 =	sld [smem:$0x3FB0]  }
0x39: {  	_ = 	snop;
	(pc) =	sbr.ind lr, $3  }
0x3a: {  	_ = 	snop  }
0x3b: {  	_ = 	snop  }
0x3c: {  	p2 =	seq.s32 s10, $0x1;
	s10 =	sld [smem:$0x3FAF]  }
0x3d: {  	_ =	shalt  }
0x3e: {  	_ =	shalt  }
0x3f: {  	_ =	shalt  }
0x40: {  	_ =	shalt  }
0x41: {  	_ =	shalt  }
0x42: {  	_ =	shalt  }
0x43: {  	_ =	shalt  }
0x44: {  	_ =	shalt  }
0x45: {  	_ =	shalt  }
0x46: {  	_ =	shalt  }
0x47: {  	_ =	shalt  }
0x48: {  	_ =	shalt  }
0x49: {  	_ =	shalt  }
0x4a: {  	_ =	shalt  }
0x4b: {  	_ =	shalt  }
0x4c: {  	_ =	shalt  }
0x4d: {  	_ =	shalt  }
0x4e: {  	_ =	shalt  }
0x4f: {  	_ =	shalt  }
0x50: {  	_ =	shalt  }
0x51: {  	_ =	shalt  }
0x52: {  	_ =	shalt  }
0x53: {  	_ =	shalt  }
0x54: {  	_ =	shalt  }
0x55: {  	_ =	shalt  }
0x56: {  	_ =	shalt  }
0x57: {  	_ =	shalt  }
0x58: {  	_ =	shalt  }
0x59: {  	_ =	shalt  }
0x5a: {  	_ =	shalt  }
0x5b: {  	_ =	shalt  }
0x5c: {  	_ =	shalt  }
0x5d: {  	_ =	shalt  }
0x5e: {  	_ =	shalt  }
0x5f: {  	_ =	shalt  }
0x60: {  	_ =	shalt  }
0x61: {  	_ =	shalt  }
0x62: {  	_ =	shalt  }
0x63: {  	_ =	shalt  }
0x64: {  	_ =	shalt  }
0x65: {  	_ =	shalt  }
0x66: {  	_ =	shalt  }
0x67: {  	_ =	shalt  }
0x68: {  	_ =	shalt  }
0x69: {  	_ =	shalt  }
0x6a: {  	_ =	shalt  }
0x6b: {  	_ =	shalt  }
0x6c: {  	_ =	shalt  }
0x6d: {  	_ =	shalt  }
0x6e: {  	_ =	shalt  }
0x6f: {  	_ =	shalt  }
0x70: {  	_ =	shalt  }
0x71: {  	_ =	shalt  }
0x72: {  	_ =	shalt  }
0x73: {  	_ =	shalt  }
0x74: {  	_ =	shalt  }
0x75: {  	_ =	shalt  }
0x76: {  	_ =	shalt  }
0x77: {  	_ =	shalt  }
0x78: {  	_ =	shalt  }
0x79: {  	_ =	shalt  }
0x7a: {  	_ =	shalt  }
0x7b: {  	_ =	shalt  }
0x7c: {  	_ =	shalt  }
0x7d: {  	_ =	shalt  }
0x7e: {  	_ =	shalt  }
0x7f: {  	_ =	shalt  }
0x80: {  	_ =	shalt  }
0x81: {  	_ =	shalt  }
0x82: {  	_ =	shalt  }
0x83: {  	_ =	shalt  }
0x84: {  	_ =	shalt  }
0x85: {  	_ =	shalt  }
0x86: {  	_ =	shalt  }
0x87: {  	_ =	shalt  }
.Lfunc_end0:
.L_simem_size_0:
called_computation_lowered:
.L_overlay_start_0:
0x88: {  	s2 =	sld [smem:$0x3FD9]  }
0x89: {  	s3 =	sld [smem:$0x3FFE];
	_ =	sdelay $0x1  }
0x8a: {  	s1 =	srdreg.scid  }
0x8b: {  	s0 =	sand.u32 $0x1, s1  }
0x8c: {  	s17 =	sshll.u32 s0, $0xA;
	s2 =	sadd.s32 s3, s2  }
0x8d: {  	s2 =	sadd.s32 s2, s17  }
0x8e: {  	[smem:$0x3FBB] =	sst s2  }
0x8f: {  	_ = 	snop  }
0x90: {  	s2 =	sld [smem:$0x3FD0];
	(tm) =	ssettm $0x1  }
0x91: {  	s18 =	sld [smem:$0x3FFB];
	_ =	sdelay $0x3  }
0x92: {  	_ =	strace s18  }
0x93: {  	s3 =	sld [smem:$0x3FFC];
	_ =	sdelay $0x3  }
0x94: {  	_ =	strace s3  }
0x95: {  	s3 =	sld [smem:$0x3FFD];
	_ =	sdelay $0x3  }
0x96: {  	_ =	strace s3  }
0x97: {  	_ =	strace $0x8FFFFFFF  }
0x98: {  	s19 =	sld [smem:$0x3FDB];
	_ =	sdelay $0x1  }
0x99: {  	s4 =	simm.s32 $_scs_section_size  }
0x9a: {  	s5 =	simm.s32 $_size__tile_overlayer_lowered;
	s6 =	simm.s32 $_tile_overlayer_lowered  }
0x9b: {  	s22 =	simm.s32 $0x1BFF;
	s21 =	sshll.u32 s6, $0x1;
	s3 =	sadd.s32 s4, s19  }
0x9c: {  	s7 =	simm.s32 $0x0;
	s20 =	sshll.u32 s5, $0x1;
	s5 =	sadd.s32 s21, s3  }
0x9d: {  	[timem:s7], [sflag:s22] =	dma.local [hbm:s5], s20  }
0x9e: {  	_ =	swait.ge [sflag:s22], s20  }
0x9f: {  	s4 =	ssub.s32 $0x0, s20;
	[sflag:s22] =	ssyncset.done $0x0  }
0xa0: {  	[sflag:s22] =	ssyncadd.s32 s4;
	_ =	sdelay $0x1  }
0xa1: {  	s23 =	simm.s32 $0x1B8B  }
0xa2: {  	_ =	swait.ge [sflag:s23], $0x1  }
0xa3: {  	[sflag:s23] =	ssyncset.done $0x0  }
0xa4: {  	s25 =	simm.s32 $0x1B8E;
	s24 =	sld [smem:$0x3FFE];
	[sflag:s23] =	ssyncadd.s32 $0xFFFFFFFF  }
0xa5: {  	s26 =	simm.s32 $execute0_lowered;
	[smem:$0x3FD2] =	sst s25  }
0xa6: {  	s5 =	sshll.u32 s26, $0x1;
	_ =	strace $0x80000046;
	[dreg:$0x1] =	wrdreg $0xFFFFFFFF  }
0xa7: {  	s28 =	simm.s32 $_size_execute0_lowered;
	s3 =	sadd.s32 s3, s5;
	[dreg:$0x0] =	wrdreg $0x0  }
0xa8: {  	s5 =	sshll.u32 s28, $0x1;
	[dreg:$0x2] =	wrdreg s3  }
0xa9: {  	[dreg:$0x3] =	wrdreg s5  }
0xaa: {  	[dreg:$0x4] =	wrdreg $0xC0  }
0xab: {  	_ =	task [dreg:s7], $0x5FFFF  }
0xac: {  	[dreg:$0x1] =	wrdreg $0xFFFFFFFF  }
0xad: {  	[dreg:$0x0] =	wrdreg $0x60  }
0xae: {  	[dreg:$0x2] =	wrdreg s2  }
0xaf: {  	[dreg:$0x3] =	wrdreg s24  }
0xb0: {  	[dreg:$0x4] =	wrdreg $0x9  }
0xb1: {  	_ =	task.clear_ibuf [dreg:s7], $0x5FFFF;
	_ =	strace $0x90000046  }
0xb2: {  	s29 =	simm.s32 $0x9;
	_ =	strace $0x80000048  }
0xb3: {  	_ =	swait.ge [sflag:s29], $0x1  }
0xb4: {  	[sflag:s29] =	ssyncadd.s32 $0xFFFFFFFF  }
0xb5: {  	_ =	strace $0x90000048  }
0xb6: {  	_ =	sfence  }
0xb7: {  	s30 =	sld [smem:$0x0];
	_ =	sdelay $0x2  }
0xb8: {  	s31 =	sshll.u32 s1, $0xD;
	s1 =	sshrl.u32 s1, $0x2  }
0xb9: {  	s3 =	sand.u32 $0x4000, s31;
	s1 =	sadd.s32 s1, s30  }
0xba: {  	s0 =	sor.u32 s3, s0;
	s1 =	sshll.u32 s1, $0x11  }
0xbb: {  	s0 =	sor.u32 s1, s0  }
0xbc: {  	s0 =	sadd.s32 $0x8F2B, s0  }
0xbd: {  	[sflag:s0] =	ssyncadd.remote.s32 $0x1  }
0xbe: {  	_ =	sfence.sel $0xFFFF  }
0xbf: {  	[dreg:$0x0] =	wrdreg $0xFFFFFFFF;
	(pc) =	sbr.abs _section_cstart, $3  }
0xc0: {  	[dreg:$0x1] =	wrdreg $0xFFFFFFFF  }
0xc1: {  	_ =	task.clear_ibuf [dreg:s7], $0x2FFFF;
	_ =	strace $0x9FFFFFFF  }
0xc2: {  	(tm) =	ssettm $0x7FFFFFFF  }
0xc3: {  	_ =	shalt  }
tec
execute0_lowered:
.L_overlay_start_1:
0x0: {  	(tag) =	ssettag $0x1  }
0x1: {  	s2 =	rddreg [dreg:$0x0]  }
0x2: {  	s1 =	srdreg.scid;
	s0 =	stileid.u32  }
0x3: {  	s4 =	rddreg [dreg:$0x1];
	s3 =	simm.s32 $0x0;
	s16 =	simm.s32 $0x1  }
0x4: {  	s17 =	simm.s32 $0x3;
	s18 =	simm.s32 $0x2;
	s19 =	simm.s32 $0x4  }
0x5: {  	s20 =	simm.s32 $0x1300;
	s21 =	simm.s32 $0x8;
	s12 =	smul.u32 $0x27100, s0  }
0x6: {  	s22 =	simm.s32 $0x1380;
	s9 =	sand.u32 $0x1, s1;
	s13 =	smul.u32 $0x138800, s0  }
0x7: {  	s23 =	simm.s32 $0x9400;
	s5 =	sshll.u32 s0, $0x1;
	s14 =	smul.u32 $0x9C400, s9  }
0x8: {  	s1 =	rddreg [dreg:$0x2];
	s5 =	sor.u32 s9, s5;
	s15 =	smul.u32 $0x13880, s9  }
0x9: {  	s24 =	simm.s32 $0x0;
	[smem:$0x7FF] =	sst s3;
	s6 =	smul.u32 $0x271, s5  }
0xa: {  	s11 =	sadd.s32 $0xD200, s4;
	s7 =	ssub.s32 $0x2, s9;
	s8 =	smul.u32 $0x9C400, s5  }
0xb: {  	_ =	strace $0x80000047;
	s26 =	sshrl.u32 s7, $0x1;
	s10 =	smul.u32 $0x13880, s5  }
0xc: {  	s30 =	sadd.s32 s12, s11;
	s7 =	ssub.s32 s7, s26;
	s31 =	sadd.s32 s14, s13  }
0xd: {  	s13 =	simm.s32 $0x80;
	s14 =	simm.s32 $0x1400;
	s6 =	sadd.s32 s6, s4  }
0xe: {  	s28 =	sshrl.u32 s8, $0x3;
	s7 =	smax.u32 s7, $0x1;
	s29 =	sadd.s32 s10, s11  }
0xf: {  	s10 =	sadd.s32 s15, s30;
	s12 =	sshrl.u32 s31, $0x3;
	s15 =	simm.s32 $0x5400  }
0x10: {  	s4 =	sadd.s32 $0x3200, s6;
	s8 =	sadd.s32 s11, s28;
	s9 =	sadd.s32 $0x12800, s29  }
0x11: {  	s10 =	sadd.s32 $0x800, s10;
	s11 =	sadd.s32 s12, s11;
	s12 =	simm.s32 $0x5  }
0x12: {  	s5 =	sadd.s32 $0x13000, s8;
	s6 =	sadd.s32 $0x13800, s8;
	s8 =	sadd.s32 $0x12000, s8  }
.LBB2_1:
0x13: {  	[tilespmem:s3], [sflag:$0x5] =	stream.linear.gather [hbm4b:s4+s3], $0x1388, $0x38;
	[tilespmem:$0x9800] =	vst v63  }
0x14: {  	_ =	swait.ge [sflag:s12], $0x1388  }
0x15: {  	[sflag:s12] =	ssyncset.done $0x0  }
0x16: {  	[sflag:s12] =	ssyncadd.s32 $0xFFFFEC78  }
0x17: {  	[tilespmem:s14], [sflag:$0x1] =	stream.indirect.gather [hbm4b:s2+s13], $0x80, s3, s13, $0xb8;
	[tilespmem:$0x9800] =	vst v63  }
0x18: {  	_ = 	snop  }
0x19: {  	[tilespmem:s15], [sflag:$0x2] =	stream.indirect.gather [hbm4b:s2+s13], $0x80, s13, s13, $0xb8;
	[tilespmem:$0x9800] =	vst v63  }
0x1a: {  	_ =	swait.ge [sflag:s16], $0x4000  }
0x1b: {  	[sflag:s16] =	ssyncset.done $0x0  }
0x1c: {  	s25 =	sadd.s32 $0x0, s11;
	[sflag:s16] =	ssyncadd.s32 $0xFFFFC000  }
0x1d: {  	[hbm4b:s25+s3] =	stream.linear.scatter [tilespmem:s14], [sflag:$0x3], $0x4000, $0x38;
	[tilespmem:$0x9800] =	vst v63  }
0x1e: {  	_ =	swait.ge [sflag:s17], $0x4000  }
0x1f: {  	[sflag:s17] =	ssyncset.done $0x0  }
0x20: {  	s30 =	simm.s32 $0x100;
	[sflag:s17] =	ssyncadd.s32 $0xFFFFC000  }
0x21: {  	[tilespmem:s14], [sflag:$0x1] =	stream.indirect.gather [hbm4b:s2+s13], $0x80, s30, s13, $0xb8;
	[tilespmem:$0x9800] =	vst v63  }
0x22: {  	_ =	swait.ge [sflag:s18], $0x4000  }
0x23: {  	[sflag:s18] =	ssyncset.done $0x0  }
0x24: {  	s31 =	sadd.s32 $0x0, s10;
	[sflag:s18] =	ssyncadd.s32 $0xFFFFC000  }
0x25: {  	[hbm4b:s31+s3] =	stream.linear.scatter [tilespmem:s15], [sflag:$0x4], $0x4000, $0x38;
	[tilespmem:$0x9800] =	vst v63  }
0x26: {  	_ =	swait.ge [sflag:s19], $0x4000  }
0x27: {  	s26 =	simm.s32 $0x1000;
	[sflag:s19] =	ssyncset.done $0x0  }
0x28: {  	s28 =	simm.s32 $0x280;
	s25 =	simm.s32 $0x180;
	[sflag:s19] =	ssyncadd.s32 $0xFFFFC000  }
.LBB2_2:
0x29: {  	[tilespmem:s15], [sflag:$0x2] =	stream.indirect.gather [hbm4b:s2+s13], $0x80, s25, s13, $0xb8;
	[tilespmem:$0x9800] =	vst v63  }
0x2a: {  	s29 =	smov.u32 s26;
	s25 =	smov.u32 s28  }
0x2b: {  	p0 =	sne.s32 s26, $0x11000;
	s26 =	sadd.s32 $0x1000, s26;
	_ =	swait.ge [sflag:s16], $0x4000  }
0x2c: {  	[sflag:s16] =	ssyncset.done $0x0  }
0x2d: {  	s30 =	sadd.s32 s29, s11;
	[sflag:s16] =	ssyncadd.s32 $0xFFFFC000  }
0x2e: {  	[hbm4b:s30+s3] =	stream.linear.scatter [tilespmem:s14], [sflag:$0x3], $0x4000, $0x38;
	[tilespmem:$0x9800] =	vst v63  }
0x2f: {  	_ =	swait.ge [sflag:s17], $0x4000  }
0x30: {  	[sflag:s17] =	ssyncset.done $0x0  }
0x31: {  	s30 =	sadd.s32 $0xFFFFFF80, s28;
	[sflag:s17] =	ssyncadd.s32 $0xFFFFC000  }
0x32: {  	[tilespmem:s14], [sflag:$0x1] =	stream.indirect.gather [hbm4b:s2+s13], $0x80, s30, s13, $0xb8;
	[tilespmem:$0x9800] =	vst v63  }
0x33: {  	_ =	swait.ge [sflag:s18], $0x4000  }
0x34: {  	[sflag:s18] =	ssyncset.done $0x0  }
.Ltmp0:
0x35: {  	s29 =	sadd.s32 s29, s10;
	[sflag:s18] =	ssyncadd.s32 $0xFFFFC000;
	(pc) =	sbr.rel @p0 .LBB2_2-.Ltmp0, $4  }
0x36: {  	[hbm4b:s29+s3] =	stream.linear.scatter [tilespmem:s15], [sflag:$0x4], $0x4000, $0x38;
	[tilespmem:$0x9800] =	vst v63  }
0x37: {  	_ =	swait.ge [sflag:s19], $0x4000  }
0x38: {  	[sflag:s19] =	ssyncset.done $0x0  }
0x39: {  	s28 =	sadd.s32 $0x100, s28;
	[sflag:s19] =	ssyncadd.s32 $0xFFFFC000  }
0x3a: {  	[tilespmem:s15], [sflag:$0x2] =	stream.indirect.gather [hbm4b:s2+s13], $0x80, s25, s13, $0xb8;
	[tilespmem:$0x9800] =	vst v63  }
0x3b: {  	_ =	swait.ge [sflag:s16], $0x4000  }
0x3c: {  	[sflag:s16] =	ssyncset.done $0x0  }
0x3d: {  	[sflag:s16] =	ssyncadd.s32 $0xFFFFC000  }
0x3e: {  	[hbm4b:s8+s3] =	stream.linear.scatter [tilespmem:s14], [sflag:$0x3], $0x4000, $0x38;
	[tilespmem:$0x9800] =	vst v63  }
0x3f: {  	_ =	swait.ge [sflag:s17], $0x4000  }
0x40: {  	[sflag:s17] =	ssyncset.done $0x0  }
0x41: {  	[sflag:s17] =	ssyncadd.s32 $0xFFFFC000  }
0x42: {  	[tilespmem:s14], [sflag:$0x1] =	stream.indirect.gather [hbm4b:s2+s13], $0x80, s20, s13, $0xb8;
	[tilespmem:$0x9800] =	vst v63  }
0x43: {  	_ =	swait.ge [sflag:s18], $0x4000  }
0x44: {  	[sflag:s18] =	ssyncset.done $0x0  }
0x45: {  	[sflag:s18] =	ssyncadd.s32 $0xFFFFC000  }
0x46: {  	[hbm4b:s9+s3] =	stream.linear.scatter [tilespmem:s15], [sflag:$0x4], $0x4000, $0x38;
	[tilespmem:$0x9800] =	vst v63  }
0x47: {  	_ =	swait.ge [sflag:s19], $0x4000  }
0x48: {  	[sflag:s19] =	ssyncset.done $0x0  }
0x49: {  	[sflag:s19] =	ssyncadd.s32 $0xFFFFC000  }
0x4a: {  	_ =	swait.ge [sflag:s16], $0x4000  }
0x4b: {  	[sflag:s16] =	ssyncset.done $0x0  }
0x4c: {  	[sflag:s16] =	ssyncadd.s32 $0xFFFFC000  }
0x4d: {  	[hbm4b:s5+s3] =	stream.linear.scatter [tilespmem:s14], [sflag:$0x3], $0x4000, $0x38;
	[tilespmem:$0x9800] =	vst v63  }
0x4e: {  	_ =	swait.ge [sflag:s17], $0x4000  }
0x4f: {  	[sflag:s17] =	ssyncset.done $0x0  }
0x50: {  	[sflag:s17] =	ssyncadd.s32 $0xFFFFC000  }
0x51: {  	[tilespmem:s23], [sflag:$0x1] =	stream.indirect.gather [hbm4b:s2+s21], $0x80, s22, s21, $0xb8;
	[tilespmem:$0x9800] =	vst v63  }
0x52: {  	s24 =	sadd.s32 $0x1, s24;
	_ =	swait.ge [sflag:s16], $0x400  }
0x53: {  	p0 =	sne.s32 s24, s7;
	[sflag:s16] =	ssyncset.done $0x0  }
.Ltmp1:
0x54: {  	[sflag:s16] =	ssyncadd.s32 $0xFFFFFC00;
	(pc) =	sbr.rel @p0 .LBB2_1-.Ltmp1, $4  }
0x55: {  	[hbm4b:s6+s3] =	stream.linear.scatter [tilespmem:s23], [sflag:$0x5], $0x400, $0x38;
	[tilespmem:$0x9800] =	vst v63  }
0x56: {  	_ =	swait.ge [sflag:s12], $0x400  }
0x57: {  	[sflag:s12] =	ssyncset.done $0x0  }
0x58: {  	[sflag:s12] =	ssyncadd.s32 $0xFFFFFC00  }
0x59: {  	_ =	sfence.sel $0x180000  }
0x5a: {  	[bflag:$0x0] =	sbarrier.arrive $0xFFFF  }
0x5b: {  	p0 =	sne.s32 s0, $0x0;
	_ =	strace $0x90000047  }
0x5c: {  	s0 =	sadd.s32 @!p0 $0x100000, s1;
	[bflag:$0x2] =	sbarrier.arrive $0xFFFF  }
0x5d: {  	[sflag:s0] =	ssyncadd.tile.s32 @!p0 $0x1;
	_ =	shalt  }
.Lfunc_end2:
_tile_overlayer_lowered:
.L_overlay_start_2:
0x5e: {  	(tag) =	ssettag $0x2  }
0x5f: {  	s0 =	rddreg [dreg:$0x0];
	s2 =	stileid.u32  }
0x60: {  	s1 =	rddreg [dreg:$0x1];
	p0 =	sne.s32 s2, $0x0  }
0x61: {  	s3 =	rddreg [dreg:$0x2];
	[bflag:$0x3] =	sbarrier.arrive $0xFFFF;
	s2 =	simm.s32 @!p0 $0x1C05  }
0x62: {  	[timem:s3], [sflag:s2] =	dma.local @!p0 [hbm:s0], s1  }
0x63: {  	s0 =	simm.s32 @!p0 $0x5  }
0x64: {  	_ =	swait.ge @!p0 [sflag:s0], s1  }
0x65: {  	s1 =	ssub.s32 @!p0 $0x0, s1;
	[sflag:s0] =	ssyncset.done @!p0 $0x0  }
0x66: {  	[sflag:s0] =	ssyncadd.s32 @!p0 s1  }
0x67: {  	[bflag:$0x3] =	sbarrier.arrive $0xFFFF  }
0x68: {  	_ =	shalt  }

// kernel: kernel.9.cloned.1.call-start
scs
__scs_entry_jumppad:
0x0: {  	(pc) =	sbr.rel $0x88, $3  }
0x1: {  	(tag) =	ssettag $0x0;
	lr =	simm.s32 $0x1  }
0x2: {  	[smem:$0x3F94] =	sst lr;
	_ =	strace $0xD0000000  }
0x3: {  	_ = 	snop  }
0x4: {  	_ = 	snop  }
0x5: {  	_ = 	snop  }
0x6: {  	_ = 	snop  }
0x7: {  	_ = 	snop  }
__scs_overlays_trampoline_lowered:
0x8: {  	[smem:$0x3FA3] =	sst s0  }
0x9: {  	[smem:$0x3FA4] =	sst s1  }
0xa: {  	[smem:$0x3FA5] =	sst s2  }
0xb: {  	[smem:$0x3FA6] =	sst s3  }
0xc: {  	[smem:$0x3FA7] =	sst s4  }
0xd: {  	[smem:$0x3FA8] =	sst s5  }
0xe: {  	[smem:$0x3FA9] =	sst s6  }
0xf: {  	[smem:$0x3FAA] =	sst s7  }
0x10: {  	[smem:$0x3FAB] =	sst s8  }
0x11: {  	[smem:$0x3FAC] =	sst s9;
	s0 =	simm.s32 @!p0 $0x0  }
0x12: {  	s1 =	sld [smem:$0x3F92];
	s0 =	simm.s32 @p0 $0x1  }
0x13: {  	[smem:$0x3FAD] =	sst s0;
	s0 =	simm.s32 @!p1 $0x0  }
0x14: {  	s2 =	sld [smem:$0x3F91];
	s0 =	simm.s32 @p1 $0x1  }
0x15: {  	[smem:$0x3FAE] =	sst s0;
	s0 =	simm.s32 @!p2 $0x0  }
0x16: {  	s3 =	sld [smem:$0x3FDB];
	s0 =	simm.s32 @p2 $0x1  }
0x17: {  	s4 =	simm.s32 $0x1BF5;
	[smem:$0x3FB0] =	sst s0  }
0x18: {  	s0 =	sld [smem:$0x3F93];
	_ =	swait.ge [sflag:s4], $0x0  }
0x19: {  	s7 =	sld [smem:$0x3F94]  }
0x1a: {  	s8 =	sadd.s32 $0xFFFFE003, lr  }
0x1b: {  	s9 =	sadd.s32 $0xFFFFFEF7, lr;
	s5 =	simm.s32 $0xFFFFFFFF;
	p2 =	slt.u32 s8, $0xFFFFF086  }
0x1c: {  	p1 =	slt.u32 s9, $0xF7A;
	s5 =	simm.s32 @!p2 $0x0  }
0x1d: {  	s5 =	simm.s32 @p1 $0x1;
	p0 =	seq.s32 s7, s2  }
0x1e: {  	s7 =	smul.u32 @!p0 $0xF7A, s2;
	p2 =	seq.s32 @!p0 s5, $0x0  }
0x1f: {  	s9 =	smul.u32 $0xF7A, s1;
	s8 =	simm.s32 @!p0 $0x1BF5;
	p2 =	por !p2, p0  }
0x20: {  	[sflag:s8] =	ssyncset.s32 @!p0 $0xFFFFF086;
	s6 =	sadd.s32 @!p0 s3, s7;
	s7 =	simm.s32 @!p0 $0x108  }
0x21: {  	s3 =	sadd.s32 s3, s9;
	s6 =	sadd.s32 @!p0 $0x88, s6;
	s7 =	simm.s32 @p2 $0x1082  }
0x22: {  	[simem:s7], [sflag:s8] =	dma.local @!p0 [hbm:s6], $0xF7A  }
0x23: {  	s9 =	sor.u32 $0xD0000000, s2;
	s6 =	simm.s32 $0x108;
	_ =	swait.ge @!p0 [sflag:s8], $0x0  }
0x24: {  	s3 =	sadd.s32 $0x88, s3;
	s6 =	simm.s32 @!p1 $0x1082;
	[sflag:s4] =	ssyncset.s32 $0xFFFFF086  }
0x25: {  	[simem:s6], [sflag:s4] =	dma.local [hbm:s3], $0xF7A  }
0x26: {  	[smem:$0x3F94] =	sst s1;
	(tag) =	ssettag s2;
	_ =	strace s9  }
0x27: {  	s1 =	sld [smem:$0x3FA4]  }
0x28: {  	s2 =	sld [smem:$0x3FA5]  }
0x29: {  	s4 =	sld [smem:$0x3FA7]  }
0x2a: {  	p0 =	seq.s32 s5, $0x0;
	s5 =	sld [smem:$0x3FA8]  }
0x2b: {  	s6 =	sld [smem:$0x3FA9]  }
0x2c: {  	s7 =	sld [smem:$0x3FAA]  }
0x2d: {  	s3 =	simm.s32 $0x108;
	s8 =	sld [smem:$0x3FAB]  }
0x2e: {  	s3 =	simm.s32 @!p0 $0x1082;
	s9 =	sld [smem:$0x3FAC]  }
0x2f: {  	lr =	sadd.s32 s0, s3;
	s0 =	sld [smem:$0x3FA3]  }
0x30: {  	s3 =	sld [smem:$0x3FA6]  }
0x31: {  	[smem:$0x3FAF] =	sst s10  }
0x32: {  	s10 =	sld [smem:$0x3FAD];
	_ =	sdelay $0x3  }
0x33: {  	p0 =	seq.s32 s10, $0x1;
	s10 =	sld [smem:$0x3FAF];
	_ =	sdelay $0x3  }
0x34: {  	[smem:$0x3FAF] =	sst s10  }
0x35: {  	s10 =	sld [smem:$0x3FAE];
	_ =	sdelay $0x3  }
0x36: {  	p1 =	seq.s32 s10, $0x1;
	s10 =	sld [smem:$0x3FAF];
	_ =	sdelay $0x3  }
0x37: {  	[smem:$0x3FAF] =	sst s10  }
0x38: {  	s10 =	sld [smem:$0x3FB0]  }
0x39: {  	_ = 	snop;
	(pc) =	sbr.ind lr, $3  }
0x3a: {  	_ = 	snop  }
0x3b: {  	_ = 	snop  }
0x3c: {  	p2 =	seq.s32 s10, $0x1;
	s10 =	sld [smem:$0x3FAF]  }
0x3d: {  	_ =	shalt  }
0x3e: {  	_ =	shalt  }
0x3f: {  	_ =	shalt  }
0x40: {  	_ =	shalt  }
0x41: {  	_ =	shalt  }
0x42: {  	_ =	shalt  }
0x43: {  	_ =	shalt  }
0x44: {  	_ =	shalt  }
0x45: {  	_ =	shalt  }
0x46: {  	_ =	shalt  }
0x47: {  	_ =	shalt  }
0x48: {  	_ =	shalt  }
0x49: {  	_ =	shalt  }
0x4a: {  	_ =	shalt  }
0x4b: {  	_ =	shalt  }
0x4c: {  	_ =	shalt  }
0x4d: {  	_ =	shalt  }
0x4e: {  	_ =	shalt  }
0x4f: {  	_ =	shalt  }
0x50: {  	_ =	shalt  }
0x51: {  	_ =	shalt  }
0x52: {  	_ =	shalt  }
0x53: {  	_ =	shalt  }
0x54: {  	_ =	shalt  }
0x55: {  	_ =	shalt  }
0x56: {  	_ =	shalt  }
0x57: {  	_ =	shalt  }
0x58: {  	_ =	shalt  }
0x59: {  	_ =	shalt  }
0x5a: {  	_ =	shalt  }
0x5b: {  	_ =	shalt  }
0x5c: {  	_ =	shalt  }
0x5d: {  	_ =	shalt  }
0x5e: {  	_ =	shalt  }
0x5f: {  	_ =	shalt  }
0x60: {  	_ =	shalt  }
0x61: {  	_ =	shalt  }
0x62: {  	_ =	shalt  }
0x63: {  	_ =	shalt  }
0x64: {  	_ =	shalt  }
0x65: {  	_ =	shalt  }
0x66: {  	_ =	shalt  }
0x67: {  	_ =	shalt  }
0x68: {  	_ =	shalt  }
0x69: {  	_ =	shalt  }
0x6a: {  	_ =	shalt  }
0x6b: {  	_ =	shalt  }
0x6c: {  	_ =	shalt  }
0x6d: {  	_ =	shalt  }
0x6e: {  	_ =	shalt  }
0x6f: {  	_ =	shalt  }
0x70: {  	_ =	shalt  }
0x71: {  	_ =	shalt  }
0x72: {  	_ =	shalt  }
0x73: {  	_ =	shalt  }
0x74: {  	_ =	shalt  }
0x75: {  	_ =	shalt  }
0x76: {  	_ =	shalt  }
0x77: {  	_ =	shalt  }
0x78: {  	_ =	shalt  }
0x79: {  	_ =	shalt  }
0x7a: {  	_ =	shalt  }
0x7b: {  	_ =	shalt  }
0x7c: {  	_ =	shalt  }
0x7d: {  	_ =	shalt  }
0x7e: {  	_ =	shalt  }
0x7f: {  	_ =	shalt  }
0x80: {  	_ =	shalt  }
0x81: {  	_ =	shalt  }
0x82: {  	_ =	shalt  }
0x83: {  	_ =	shalt  }
0x84: {  	_ =	shalt  }
0x85: {  	_ =	shalt  }
0x86: {  	_ =	shalt  }
0x87: {  	_ =	shalt  }
.Lfunc_end0:
.L_simem_size_0:
called_computation.1_lowered:
.L_overlay_start_0:
0x88: {  	s2 =	sld [smem:$0x3FD9]  }
0x89: {  	s3 =	sld [smem:$0x3FFE];
	_ =	sdelay $0x1  }
0x8a: {  	s1 =	srdreg.scid  }
0x8b: {  	s0 =	sand.u32 $0x1, s1  }
0x8c: {  	s17 =	sshll.u32 s0, $0xA;
	s2 =	sadd.s32 s3, s2  }
0x8d: {  	s2 =	sadd.s32 s2, s17  }
0x8e: {  	[smem:$0x3FBB] =	sst s2  }
0x8f: {  	_ = 	snop  }
0x90: {  	s2 =	sld [smem:$0x3FD0];
	(tm) =	ssettm $0x1  }
0x91: {  	s18 =	sld [smem:$0x3FFB];
	_ =	sdelay $0x3  }
0x92: {  	_ =	strace s18  }
0x93: {  	s3 =	sld [smem:$0x3FFC];
	_ =	sdelay $0x3  }
0x94: {  	_ =	strace s3  }
0x95: {  	s3 =	sld [smem:$0x3FFD];
	_ =	sdelay $0x3  }
0x96: {  	_ =	strace s3  }
0x97: {  	_ =	strace $0x8FFFFFFF  }
0x98: {  	s19 =	sld [smem:$0x3FDB];
	_ =	sdelay $0x1  }
0x99: {  	s4 =	simm.s32 $_scs_section_size  }
0x9a: {  	s5 =	simm.s32 $_size__tile_overlayer_lowered;
	s6 =	simm.s32 $_tile_overlayer_lowered  }
0x9b: {  	s22 =	simm.s32 $0x1BFF;
	s21 =	sshll.u32 s6, $0x1;
	s3 =	sadd.s32 s4, s19  }
0x9c: {  	s7 =	simm.s32 $0x0;
	s20 =	sshll.u32 s5, $0x1;
	s5 =	sadd.s32 s21, s3  }
0x9d: {  	[timem:s7], [sflag:s22] =	dma.local [hbm:s5], s20  }
0x9e: {  	_ =	swait.ge [sflag:s22], s20  }
0x9f: {  	s4 =	ssub.s32 $0x0, s20;
	[sflag:s22] =	ssyncset.done $0x0  }
0xa0: {  	[sflag:s22] =	ssyncadd.s32 s4;
	_ =	sdelay $0x1  }
0xa1: {  	s23 =	simm.s32 $0x1B8B  }
0xa2: {  	_ =	swait.ge [sflag:s23], $0x1  }
0xa3: {  	[sflag:s23] =	ssyncset.done $0x0  }
0xa4: {  	s25 =	simm.s32 $0x1B8E;
	s24 =	sld [smem:$0x3FFE];
	[sflag:s23] =	ssyncadd.s32 $0xFFFFFFFF  }
0xa5: {  	s26 =	simm.s32 $execute0_lowered;
	[smem:$0x3FD2] =	sst s25  }
0xa6: {  	s5 =	sshll.u32 s26, $0x1;
	_ =	strace $0x80000049;
	[dreg:$0x1] =	wrdreg $0xFFFFFFFF  }
0xa7: {  	s28 =	simm.s32 $_size_execute0_lowered;
	s3 =	sadd.s32 s3, s5;
	[dreg:$0x0] =	wrdreg $0x0  }
0xa8: {  	s5 =	sshll.u32 s28, $0x1;
	[dreg:$0x2] =	wrdreg s3  }
0xa9: {  	[dreg:$0x3] =	wrdreg s5  }
0xaa: {  	[dreg:$0x4] =	wrdreg $0xC0  }
0xab: {  	_ =	task [dreg:s7], $0x5FFFF  }
0xac: {  	[dreg:$0x1] =	wrdreg $0xFFFFFFFF  }
0xad: {  	[dreg:$0x0] =	wrdreg $0x60  }
0xae: {  	[dreg:$0x2] =	wrdreg s24  }
0xaf: {  	[dreg:$0x3] =	wrdreg s2  }
0xb0: {  	[dreg:$0x4] =	wrdreg $0xA3800  }
0xb1: {  	[dreg:$0x5] =	wrdreg $0x9  }
0xb2: {  	_ =	task.clear_ibuf [dreg:s7], $0x6FFFF;
	_ =	strace $0x90000049  }
0xb3: {  	s29 =	simm.s32 $0x9;
	_ =	strace $0x8000004B  }
0xb4: {  	_ =	swait.ge [sflag:s29], $0x1  }
0xb5: {  	[sflag:s29] =	ssyncadd.s32 $0xFFFFFFFF  }
0xb6: {  	_ =	strace $0x9000004B  }
0xb7: {  	_ =	sfence  }
0xb8: {  	s30 =	sld [smem:$0x0];
	_ =	sdelay $0x2  }
0xb9: {  	s31 =	sshll.u32 s1, $0xD;
	s1 =	sshrl.u32 s1, $0x2  }
0xba: {  	s3 =	sand.u32 $0x4000, s31;
	s1 =	sadd.s32 s1, s30  }
0xbb: {  	s0 =	sor.u32 s3, s0;
	s1 =	sshll.u32 s1, $0x11  }
0xbc: {  	s0 =	sor.u32 s1, s0  }
0xbd: {  	s0 =	sadd.s32 $0x8F2B, s0  }
0xbe: {  	[sflag:s0] =	ssyncadd.remote.s32 $0x1  }
0xbf: {  	_ =	sfence.sel $0xFFFF  }
0xc0: {  	[dreg:$0x0] =	wrdreg $0xFFFFFFFF;
	(pc) =	sbr.abs _section_cstart, $3  }
0xc1: {  	[dreg:$0x1] =	wrdreg $0xFFFFFFFF  }
0xc2: {  	_ =	task.clear_ibuf [dreg:s7], $0x2FFFF;
	_ =	strace $0x9FFFFFFF  }
0xc3: {  	(tm) =	ssettm $0x7FFFFFFF  }
tec
execute0_lowered:
.L_overlay_start_1:
0x0: {  	(tag) =	ssettag $0x1  }
0x1: {  	s0 =	rddreg [dreg:$0x0]  }
0x2: {  	s1 =	rddreg [dreg:$0x1]  }
0x3: {  	s3 =	srdreg.scid;
	s20 =	stileid.u32  }
0x4: {  	s2 =	rddreg [dreg:$0x2];
	s6 =	smul.u32 $0x14000, s20  }
0x5: {  	s28 =	simm.s32 $0x2;
	s29 =	simm.s32 $0x4;
	s15 =	smul.u32 $0x50, s20  }
0x6: {  	s30 =	simm.s32 $0x5100;
	s31 =	simm.s32 $0x0;
	s10 =	smul.u32 $0x50000, s20  }
0x7: {  	s13 =	sand.u32 $0x1, s3;
	s3 =	simm.s32 $0x0;
	s8 =	smul.u32 $0x2710, s20  }
0x8: {  	s4 =	sadd.s32 $0x3B6A00, s0;
	s14 =	sadd.s32 $0x8200, s0;
	s24 =	smul.u32 $0x4E2, s20  }
0x9: {  	s17 =	sshll.u32 s20, $0x6;
	s5 =	smul.u32 $0x140000, s13;
	[smem:$0x7FF] =	sst s3  }
0xa: {  	s9 =	ssub.s32 $0x2, s13;
	p0 =	sne.s32 s13, $0x0;
	_ =	strace $0x8000004A  }
0xb: {  	s7 =	sshrl.u32 s9, $0x1;
	s11 =	sshrl.u32 s10, $0x2;
	s10 =	smul.u32 $0x138800, s20  }
0xc: {  	s26 =	sadd.s32 s24, s14;
	s24 =	simm.s32 $0x1;
	s5 =	sadd.s32 s6, s5  }
0xd: {  	s16 =	ssub.s32 s9, s7;
	s9 =	smul.u32 $0x1388000, s13;
	s5 =	sshrl.u32 s5, $0x3  }
0xe: {  	s7 =	sor.u32 $0x1C05, s17;
	s16 =	smax.u32 s16, $0x1;
	s12 =	sadd.s32 s5, s0  }
0xf: {  	s0 =	sadd.s32 s15, s0;
	s5 =	sadd.s32 s11, s2;
	s11 =	sadd.s32 $0x50, s8  }
0x10: {  	s8 =	sshrl.u32 s8, $0x3;
	s19 =	sadd.s32 s10, s9;
	[dreg:$0x4] =	wrdreg s5  }
0x11: {  	s6 =	sadd.s32 $0xD200, s12;
	s18 =	sshll.u32 s11, $0x7;
	s8 =	sadd.s32 s14, s8  }
0x12: {  	s17 =	sshrl.u32 s19, $0x3;
	s21 =	sshrl.u32 s11, $0x3;
	s12 =	sadd.s32 $0x5D200, s12  }
0x13: {  	s0 =	sadd.s32 $0x3200, s0;
	s25 =	sadd.s32 $0x7800, s19;
	s19 =	sadd.s32 $0x5000, s19  }
0x14: {  	s9 =	sadd.s32 s9, s18;
	s18 =	smul.u32 $0x500, s20;
	s10 =	sadd.s32 s14, s21  }
0x15: {  	[dreg:$0x7] =	wrdreg s0;
	s0 =	sshrl.u32 s25, $0x3;
	s20 =	simm.s32 $0x5  }
.Ltmp0:
0x16: {  	s21 =	simm.s32 $0x100;
	s25 =	simm.s32 $0x3;
	(pc) =	sbr.rel .LBB2_1-.Ltmp0, $4  }
0x17: {  	s22 =	sshrl.u32 s9, $0x3;
	s9 =	sadd.s32 s4, s17;
	s17 =	sadd.s32 s0, s4  }
0x18: {  	s11 =	sadd.s32 s4, s22;
	s23 =	sadd.s32 s1, s18;
	s1 =	sadd.s32 s1, s15  }
0x19: {  	s18 =	sadd.s32 $0x1E, s26;
	s22 =	simm.s32 $0x80;
	[dreg:$0x5] =	wrdreg s23  }
0x1a: {  	v0 =	vimm.f32 $0.0e+00;
	v1 =	vimm.f32 $1.000000000e+00;
	s26 =	simm.s32 $0x50;
	[dreg:$0x6] =	wrdreg s1;
	s23 =	simm.s32 $0x2900  }
.LBB2_12:
0x1b: {  	[bflag:$0x0] =	sbarrier.arrive $0xFFFF  }
0x1c: {  	[hbm:s12], [sflag:s7] =	dma.local [spmem:s0], $0x2800  }
0x1d: {  	_ =	swait.ge [sflag:s20], $0x2800  }
0x1e: {  	[sflag:s20] =	ssyncset.done $0x0  }
0x1f: {  	[sflag:s20] =	ssyncadd.s32 $0xFFFFD800  }
.LBB2_13:
0x20: {  	s31 =	sadd.s32 $0x1, s31  }
0x21: {  	p1 =	sne.s32 s31, s16  }
.Ltmp1:
0x22: {  	_ = 	snop;
	(pc) =	sbr.rel @!p1 .LBB2_14-.Ltmp1, $1  }
0x23: {  	_ =	sdelay $0x3  }
.LBB2_1:
0x24: {  	s0 =	rddreg [dreg:$0x4]  }
.Ltmp2:
0x25: {  	s0 =	sshrl.u32 s0, $0x3;
	(pc) =	sbr.rel @p0 .LBB2_5-.Ltmp2, $4  }
0x26: {  	[spmem:s0], [sflag:s7] =	dma.local [hbm:s6], $0x2800  }
0x27: {  	_ =	swait.ge [sflag:s20], $0x2800  }
0x28: {  	[sflag:s20] =	ssyncset.done $0x0  }
0x29: {  	[sflag:s20] =	ssyncadd.s32 $0xFFFFD800  }
0x2a: {  	s1 =	simm.s32 $0x40;
	s13 =	simm.s32 $0x0  }
.LBB2_3:
0x2b: {  	p1 =	sne.s32 s1, $0x9FC0;
	[tilespmem:s13+$0x5100] =	vst v0;
	s13 =	smov.u32 s1;
	s1 =	sadd.s32 $0x40, s1  }
.Ltmp3:
0x2c: {  	(pc) =	sbr.rel @p1 .LBB2_3-.Ltmp3, $2  }
0x2d: {  	_ =	sdelay $0x2  }
0x2e: {  	s13 =	sshra.s32 s13, $0x2  }
0x2f: {  	[tilespmem:s13+$0x5100] =	vst v0  }
.LBB2_5:
0x30: {  	[bflag:$0x0] =	sbarrier.arrive $0xFFFF;
	s1 =	simm.s32 $0x0  }
0x31: {  	[tilespmem:s1], [sflag:$0x1] =	stream.linear.gather [hbm4b:s8+s1], $0x50, $0x38;
	[tilespmem:$0x1E380] =	vst v63  }
0x32: {  	_ = 	snop  }
0x33: {  	[tilespmem:s21], [sflag:$0x3] =	stream.linear.gather [hbm4b:s9+s1], $0x2800, $0x38;
	[tilespmem:$0x1E380] =	vst v63  }
0x34: {  	_ = 	snop  }
0x35: {  	[tilespmem:s22], [sflag:$0x2] =	stream.linear.gather [hbm4b:s10+s1], $0x50, $0x38;
	[tilespmem:$0x1E380] =	vst v63  }
0x36: {  	s13 =	smov.u32 s19;
	s14 =	smov.u32 s18  }
0x37: {  	[tilespmem:s23], [sflag:$0x4] =	stream.linear.gather [hbm4b:s11+s1], $0x2800, $0x38;
	[tilespmem:$0x1E380] =	vst v63  }
.LBB2_6:
0x38: {  	_ =	swait.ge [sflag:s24], $0x50  }
0x39: {  	[sflag:s24] =	ssyncset.done $0x0  }
0x3a: {  	[sflag:s24] =	ssyncadd.s32 $0xFFFFFFB0  }
0x3b: {  	_ =	swait.ge [sflag:s25], $0x2800  }
0x3c: {  	[sflag:s25] =	ssyncset.done $0x0  }
0x3d: {  	[sflag:s25] =	ssyncadd.s32 $0xFFFFD800  }
0x3e: {  	[spmem:s2] =	stream.indirect.scatter.add.f32 [tilespmem:s21], [sflag:$0x5], $0x80, s3, s26, $0xb8;
	[tilespmem:$0x1E380] =	vst v63  }
0x3f: {  	_ =	swait.ge [sflag:s20], $0x2800  }
0x40: {  	[sflag:s20] =	ssyncset.done $0x0  }
0x41: {  	[sflag:s20] =	ssyncadd.s32 $0xFFFFD800  }
0x42: {  	v2 =	vld @!p0 [tilespmem:$0x0];
	_ =	sdelay $0x6  }
0x43: {  	v3 =	vimm.f32 @!p0 $1.000000000e+00;
	s15 =	simm.s32 @!p0 $0x5100  }
0x44: {  	[tilespmem:v2+s15+$0x0] =	vst.idx.add.f32.msk @!p0 $0xffff, v3  }
0x45: {  	v2 =	vld @!p0 [tilespmem:$0x10];
	_ =	sdelay $0x7  }
0x46: {  	[tilespmem:v2+s15+$0x0] =	vst.idx.add.f32.msk @!p0 $0xffff, v3  }
0x47: {  	v2 =	vld @!p0 [tilespmem:$0x20];
	_ =	sdelay $0x7  }
0x48: {  	[tilespmem:v2+s15+$0x0] =	vst.idx.add.f32.msk @!p0 $0xffff, v3  }
0x49: {  	v2 =	vld @!p0 [tilespmem:$0x30];
	_ =	sdelay $0x7  }
0x4a: {  	[tilespmem:v2+s15+$0x0] =	vst.idx.add.f32.msk @!p0 $0xffff, v3  }
0x4b: {  	v2 =	vld @!p0 [tilespmem:$0x40];
	_ =	sdelay $0x7  }
0x4c: {  	s5 =	sadd.s32 $0xFFFFFFF6, s14;
	[tilespmem:v2+s15+$0x0] =	vst.idx.add.f32.msk @!p0 $0xffff, v3  }
0x4d: {  	[tilespmem:s3], [sflag:$0x1] =	stream.linear.gather [hbm4b:s5+s3], $0x50, $0x38;
	[tilespmem:$0x1E380] =	vst v63  }
0x4e: {  	s5 =	sshrl.u32 s13, $0x3  }
0x4f: {  	s5 =	sadd.s32 s4, s5  }
0x50: {  	[tilespmem:s21], [sflag:$0x3] =	stream.linear.gather [hbm4b:s5+s3], $0x2800, $0x38;
	[tilespmem:$0x1E380] =	vst v63  }
0x51: {  	_ =	swait.ge [sflag:s28], $0x50  }
0x52: {  	[sflag:s28] =	ssyncset.done $0x0  }
0x53: {  	[sflag:s28] =	ssyncadd.s32 $0xFFFFFFB0  }
0x54: {  	_ =	swait.ge [sflag:s29], $0x2800  }
0x55: {  	[sflag:s29] =	ssyncset.done $0x0  }
0x56: {  	[sflag:s29] =	ssyncadd.s32 $0xFFFFD800  }
0x57: {  	[spmem:s2] =	stream.indirect.scatter.add.f32 [tilespmem:s23], [sflag:$0x5], $0x80, s22, s26, $0xb8;
	[tilespmem:$0x1E380] =	vst v63  }
0x58: {  	_ =	swait.ge [sflag:s20], $0x2800  }
0x59: {  	[sflag:s20] =	ssyncset.done $0x0  }
0x5a: {  	[sflag:s20] =	ssyncadd.s32 $0xFFFFD800  }
0x5b: {  	v2 =	vld @!p0 [tilespmem:$0x80];
	_ =	sdelay $0x7  }
0x5c: {  	[tilespmem:v2+s15+$0x0] =	vst.idx.add.f32.msk @!p0 $0xffff, v3  }
0x5d: {  	v2 =	vld @!p0 [tilespmem:$0x90];
	_ =	sdelay $0x7  }
0x5e: {  	[tilespmem:v2+s15+$0x0] =	vst.idx.add.f32.msk @!p0 $0xffff, v3  }
0x5f: {  	v2 =	vld @!p0 [tilespmem:$0xA0];
	_ =	sdelay $0x7  }
0x60: {  	[tilespmem:v2+s15+$0x0] =	vst.idx.add.f32.msk @!p0 $0xffff, v3  }
0x61: {  	v2 =	vld @!p0 [tilespmem:$0xB0];
	_ =	sdelay $0x7  }
0x62: {  	[tilespmem:v2+s15+$0x0] =	vst.idx.add.f32.msk @!p0 $0xffff, v3  }
0x63: {  	v2 =	vld @!p0 [tilespmem:$0xC0];
	_ =	sdelay $0x2  }
0x64: {  	p1 =	seq.s32 s1, $0x26200  }
.Ltmp4:
0x65: {  	_ = 	snop;
	(pc) =	sbr.rel @p1 .LBB2_8-.Ltmp4, $2  }
0x66: {  	_ =	sdelay $0x2  }
0x67: {  	[tilespmem:v2+s15+$0x0] =	vst.idx.add.f32.msk @!p0 $0xffff, v3  }
.Ltmp5:
0x68: {  	(pc) =	sbr.rel .LBB2_6-.Ltmp5, $4  }
0x69: {  	[tilespmem:s22], [sflag:$0x2] =	stream.linear.gather [hbm4b:s14+s3], $0x50, $0x38;
	[tilespmem:$0x1E380] =	vst v63  }
0x6a: {  	s5 =	sadd.s32 s1, s17  }
0x6b: {  	s1 =	sadd.s32 $0xA00, s1;
	s14 =	sadd.s32 $0x14, s14;
	s13 =	sadd.s32 $0x5000, s13  }
0x6c: {  	[tilespmem:s23], [sflag:$0x4] =	stream.linear.gather [hbm4b:s5+s3], $0x2800, $0x38;
	[tilespmem:$0x1E380] =	vst v63  }
.LBB2_8:
0x6d: {  	_ =	swait.ge [sflag:s24], $0x50  }
0x6e: {  	[sflag:s24] =	ssyncset.done $0x0  }
0x6f: {  	[sflag:s24] =	ssyncadd.s32 $0xFFFFFFB0  }
0x70: {  	_ =	swait.ge [sflag:s25], $0x2800  }
0x71: {  	[sflag:s25] =	ssyncset.done $0x0  }
.Ltmp6:
0x72: {  	[sflag:s25] =	ssyncadd.s32 $0xFFFFD800;
	(pc) =	sbr.rel @p0 .LBB2_12-.Ltmp6, $4  }
0x73: {  	[spmem:s2] =	stream.indirect.scatter.add.f32 [tilespmem:s21], [sflag:$0x5], $0x80, s3, s26, $0xb8;
	[tilespmem:$0x1E380] =	vst v63  }
0x74: {  	_ =	swait.ge [sflag:s20], $0x2800  }
0x75: {  	[sflag:s20] =	ssyncset.done $0x0  }
0x76: {  	[sflag:s20] =	ssyncadd.s32 $0xFFFFD800  }
0x77: {  	v2 =	vld [tilespmem:$0x0];
	_ =	sdelay $0x7  }
0x78: {  	[tilespmem:v2+s30+$0x0] =	vst.idx.add.f32.msk $0xffff, v1  }
0x79: {  	v2 =	vld [tilespmem:$0x10];
	_ =	sdelay $0x7  }
0x7a: {  	[tilespmem:v2+s30+$0x0] =	vst.idx.add.f32.msk $0xffff, v1  }
0x7b: {  	v2 =	vld [tilespmem:$0x20];
	_ =	sdelay $0x7  }
0x7c: {  	[tilespmem:v2+s30+$0x0] =	vst.idx.add.f32.msk $0xffff, v1  }
0x7d: {  	v2 =	vld [tilespmem:$0x30];
	_ =	sdelay $0x7  }
0x7e: {  	[tilespmem:v2+s30+$0x0] =	vst.idx.add.f32.msk $0xffff, v1  }
0x7f: {  	v2 =	vld [tilespmem:$0x40];
	_ =	sdelay $0x7  }
0x80: {  	[tilespmem:v2+s30+$0x0] =	vst.idx.add.f32.msk $0xffff, v1  }
0x81: {  	[bflag:$0x0] =	sbarrier.arrive $0xFFFF  }
0x82: {  	[hbm:s12], [sflag:s7] =	dma.local [spmem:s0], $0x2800  }
0x83: {  	_ =	swait.ge [sflag:s20], $0x2800  }
0x84: {  	[sflag:s20] =	ssyncset.done $0x0  }
0x85: {  	s0 =	simm.s32 $0x0;
	s1 =	rddreg [dreg:$0x5];
	[sflag:s20] =	ssyncadd.s32 $0xFFFFD800  }
0x86: {  	[hbm4b:s1+s0] =	stream.linear.scatter [tilespmem:s30], [sflag:$0x5], $0x2800, $0x38;
	[tilespmem:$0x1E380] =	vst v63  }
0x87: {  	_ =	swait.ge [sflag:s20], $0x2800  }
0x88: {  	[sflag:s20] =	ssyncset.done $0x0  }
0x89: {  	[sflag:s20] =	ssyncadd.s32 $0xFFFFD800  }
0x8a: {  	s15 =	simm.s32 $0x7900;
	[bflag:$0x0] =	sbarrier.arrive $0xFFFF  }
0x8b: {  	s13 =	simm.s32 $0x280;
	s14 =	simm.s32 $0x2800;
	s5 =	rddreg [dreg:$0x6]  }
0x8c: {  	[tilespmem:s15], [sflag:$0x5] =	stream.strided.gather [hbm4b:s5+s13], $0x2800, s14, s13, $0x38;
	[tilespmem:$0x1E380] =	vst v63  }
0x8d: {  	_ =	swait.ge [sflag:s20], $0x2800  }
0x8e: {  	[sflag:s20] =	ssyncset.done $0x0  }
0x8f: {  	s0 =	sand.u32 $0x3F0, s0;
	[sflag:s20] =	ssyncadd.s32 $0xFFFFD800  }
0x90: {  	v2 =	vld [tilespmem:s0+$0x7B80]  }
0x91: {  	v3 =	vld [tilespmem:s15+$0x0];
	_ =	sdelay $0x1  }
0x92: {  	v4 =	vld [tilespmem:s0+$0x7E00];
	_ =	sdelay $0x1  }
0x93: {  	v5 =	vld [tilespmem:s0+$0x8080]  }
0x94: {  	v2 =	vadd.f32 v2, v3  }
0x95: {  	v3 =	vld [tilespmem:s0+$0x8300]  }
0x96: {  	v2 =	vadd.f32 v4, v2  }
0x97: {  	v56 =	vld [tilespmem:s0+$0x8580]  }
0x98: {  	v2 =	vadd.f32 v5, v2  }
0x99: {  	v57 =	vld [tilespmem:s0+$0x8800]  }
0x9a: {  	v2 =	vadd.f32 v3, v2  }
0x9b: {  	v3 =	vld [tilespmem:s0+$0x8A80]  }
0x9c: {  	v2 =	vadd.f32 v56, v2  }
0x9d: {  	v58 =	vld [tilespmem:s0+$0x8D00]  }
0x9e: {  	v2 =	vadd.f32 v57, v2  }
0x9f: {  	v59 =	vld [tilespmem:s0+$0x8F80]  }
0xa0: {  	v2 =	vadd.f32 v3, v2  }
0xa1: {  	v3 =	vld [tilespmem:s0+$0x9200]  }
0xa2: {  	v2 =	vadd.f32 v58, v2  }
0xa3: {  	v60 =	vld [tilespmem:s0+$0x9480]  }
0xa4: {  	v2 =	vadd.f32 v59, v2  }
0xa5: {  	v61 =	vld [tilespmem:s0+$0x9700]  }
0xa6: {  	v2 =	vadd.f32 v3, v2  }
0xa7: {  	v3 =	vld [tilespmem:s0+$0x9980]  }
0xa8: {  	v2 =	vadd.f32 v60, v2  }
0xa9: {  	v62 =	vld [tilespmem:s0+$0x9C00]  }
0xaa: {  	v2 =	vadd.f32 v61, v2  }
0xab: {  	v63 =	vld [tilespmem:s0+$0x9E80]  }
0xac: {  	v2 =	vadd.f32 v3, v2;
	_ =	sdelay $0x1  }
0xad: {  	v2 =	vadd.f32 v62, v2;
	_ =	sdelay $0x1  }
0xae: {  	v2 =	vadd.f32 v63, v2  }
0xaf: {  	s15 =	simm.s32 $0x10;
	s0 =	simm.s32 $0xA100  }
0xb0: {  	s1 =	sand.u32 $0x3F0, s15;
	[tilespmem:s0+$0x0] =	vst v2  }
0xb1: {  	s14 =	simm.s32 $0x20;
	s13 =	simm.s32 $0x7910;
	v2 =	vld [tilespmem:s1+$0x7B80]  }
.LBB2_10:
0xb2: {  	p1 =	sne.s32 s14, $0x270;
	v3 =	vld [tilespmem:s13+$0x0];
	_ =	sdelay $0x1  }
0xb3: {  	v4 =	vld [tilespmem:s1+$0x7E00];
	_ =	sdelay $0x1  }
0xb4: {  	v5 =	vld [tilespmem:s1+$0x8080]  }
0xb5: {  	v2 =	vadd.f32 v2, v3  }
0xb6: {  	v3 =	vld [tilespmem:s1+$0x8300]  }
0xb7: {  	v2 =	vadd.f32 v4, v2  }
0xb8: {  	v4 =	vld [tilespmem:s1+$0x8580]  }
0xb9: {  	v2 =	vadd.f32 v5, v2  }
0xba: {  	v5 =	vld [tilespmem:s1+$0x8800]  }
0xbb: {  	v2 =	vadd.f32 v3, v2  }
0xbc: {  	v3 =	vld [tilespmem:s1+$0x8A80]  }
0xbd: {  	v2 =	vadd.f32 v4, v2  }
0xbe: {  	v4 =	vld [tilespmem:s1+$0x8D00]  }
0xbf: {  	v2 =	vadd.f32 v5, v2  }
0xc0: {  	v5 =	vld [tilespmem:s1+$0x8F80]  }
0xc1: {  	v2 =	vadd.f32 v3, v2  }
0xc2: {  	v3 =	vld [tilespmem:s1+$0x9200]  }
0xc3: {  	v2 =	vadd.f32 v4, v2  }
0xc4: {  	v4 =	vld [tilespmem:s1+$0x9480]  }
0xc5: {  	v2 =	vadd.f32 v5, v2  }
0xc6: {  	v5 =	vld [tilespmem:s1+$0x9700]  }
0xc7: {  	v2 =	vadd.f32 v3, v2  }
0xc8: {  	v3 =	vld [tilespmem:s1+$0x9980]  }
0xc9: {  	v2 =	vadd.f32 v4, v2  }
0xca: {  	v4 =	vld [tilespmem:s1+$0x9C00]  }
0xcb: {  	v2 =	vadd.f32 v5, v2  }
0xcc: {  	v5 =	vld [tilespmem:s1+$0x9E80]  }
0xcd: {  	v2 =	vadd.f32 v3, v2;
	_ =	sdelay $0x1  }
0xce: {  	v2 =	vadd.f32 v4, v2  }
.Ltmp7:
0xcf: {  	(pc) =	sbr.rel @p1 .LBB2_10-.Ltmp7, $4  }
0xd0: {  	v2 =	vadd.f32 v5, v2  }
0xd1: {  	s0 =	sadd.s32 $0x10, s0  }
0xd2: {  	s1 =	sand.u32 $0x3F0, s14;
	[tilespmem:s0+$0x0] =	vst v2  }
0xd3: {  	s13 =	sadd.s32 $0x10, s13;
	s14 =	sadd.s32 $0x10, s14;
	v2 =	vld [tilespmem:s1+$0x7B80]  }
0xd4: {  	v3 =	vld [tilespmem:s13+$0x0];
	_ =	sdelay $0x1  }
0xd5: {  	v4 =	vld [tilespmem:s1+$0x7E00];
	_ =	sdelay $0x1  }
0xd6: {  	v5 =	vld [tilespmem:s1+$0x8080]  }
0xd7: {  	v2 =	vadd.f32 v2, v3  }
0xd8: {  	v3 =	vld [tilespmem:s1+$0x8300]  }
0xd9: {  	v2 =	vadd.f32 v4, v2  }
0xda: {  	v56 =	vld [tilespmem:s1+$0x8580]  }
0xdb: {  	v2 =	vadd.f32 v5, v2  }
0xdc: {  	v57 =	vld [tilespmem:s1+$0x8800]  }
0xdd: {  	v2 =	vadd.f32 v3, v2  }
0xde: {  	v3 =	vld [tilespmem:s1+$0x8A80]  }
0xdf: {  	v2 =	vadd.f32 v56, v2  }
0xe0: {  	v58 =	vld [tilespmem:s1+$0x8D00]  }
0xe1: {  	v2 =	vadd.f32 v57, v2  }
0xe2: {  	v59 =	vld [tilespmem:s1+$0x8F80]  }
0xe3: {  	v2 =	vadd.f32 v3, v2  }
0xe4: {  	v3 =	vld [tilespmem:s1+$0x9200]  }
0xe5: {  	v2 =	vadd.f32 v58, v2  }
0xe6: {  	v60 =	vld [tilespmem:s1+$0x9480]  }
0xe7: {  	v2 =	vadd.f32 v59, v2  }
0xe8: {  	v61 =	vld [tilespmem:s1+$0x9700]  }
0xe9: {  	v2 =	vadd.f32 v3, v2  }
0xea: {  	v3 =	vld [tilespmem:s1+$0x9980]  }
0xeb: {  	v2 =	vadd.f32 v60, v2  }
0xec: {  	v62 =	vld [tilespmem:s1+$0x9C00]  }
0xed: {  	v2 =	vadd.f32 v61, v2  }
0xee: {  	v63 =	vld [tilespmem:s1+$0x9E80]  }
0xef: {  	v2 =	vadd.f32 v3, v2;
	_ =	sdelay $0x1  }
0xf0: {  	v2 =	vadd.f32 v62, v2;
	_ =	sdelay $0x1  }
0xf1: {  	v2 =	vadd.f32 v63, v2  }
0xf2: {  	s0 =	sadd.s32 $0x10, s0  }
.Ltmp8:
0xf3: {  	s14 =	rddreg [dreg:$0x7];
	s15 =	simm.s32 $0xA100;
	[tilespmem:s0+$0x0] =	vst v2;
	(pc) =	sbr.rel .LBB2_13-.Ltmp8, $4  }
0xf4: {  	[hbm4b:s14+s3] =	stream.linear.scatter [tilespmem:s15], [sflag:$0x5], $0x280, $0x38;
	[tilespmem:$0x1E380] =	vst v63  }
0xf5: {  	_ =	swait.ge [sflag:s20], $0x280  }
0xf6: {  	[sflag:s20] =	ssyncset.done $0x0  }
0xf7: {  	[sflag:s20] =	ssyncadd.s32 $0xFFFFFD80  }
.LBB2_14:
0xf8: {  	_ =	sfence.sel $0x180000  }
0xf9: {  	[bflag:$0x0] =	sbarrier.arrive $0xFFFF  }
0xfa: {  	_ =	strace $0x9000004A  }
0xfb: {  	s0 =	stileid.u32;
	[bflag:$0x2] =	sbarrier.arrive $0xFFFF  }
0xfc: {  	p0 =	sne.s32 s0, $0x0;
	s0 =	rddreg [dreg:$0x3]  }
0xfd: {  	s0 =	sadd.s32 @!p0 $0x100000, s0  }
0xfe: {  	[sflag:s0] =	ssyncadd.tile.s32 @!p0 $0x1;
	_ =	shalt  }
.Lfunc_end2:
_tile_overlayer_lowered:
.L_overlay_start_2:
0xff: {  	(tag) =	ssettag $0x2  }
0x100: {  	s0 =	rddreg [dreg:$0x0];
	s2 =	stileid.u32  }
0x101: {  	s1 =	rddreg [dreg:$0x1];
	p0 =	sne.s32 s2, $0x0  }
0x102: {  	s3 =	rddreg [dreg:$0x2];
	[bflag:$0x3] =	sbarrier.arrive $0xFFFF;
	s2 =	simm.s32 @!p0 $0x1C05  }
0x103: {  	[timem:s3], [sflag:s2] =	dma.local @!p0 [hbm:s0], s1  }
0x104: {  	s0 =	simm.s32 @!p0 $0x5  }
0x105: {  	_ =	swait.ge @!p0 [sflag:s0], s1  }
0x106: {  	s1 =	ssub.s32 @!p0 $0x0, s1;
	[sflag:s0] =	ssyncset.done @!p0 $0x0  }
0x107: {  	[sflag:s0] =	ssyncadd.s32 @!p0 s1  }
0x108: {  	[bflag:$0x3] =	sbarrier.arrive $0xFFFF  }
0x109: {  	_ =	shalt  }

</sc_bundles>
